<compile_context>
chip_gen: v7x
topology: tpu7x:2x2x1
jax: 0.10.2.dev20260603
libtpu: 0.0.44.dev20260713+nightly
codegen_flags: <defaults>
</compile_context>

<pallas_src>
import functools

import jax
import jax.numpy as jnp
from jax import lax
from jax.experimental import pallas as pl
from jax.experimental.pallas import tpu as pltpu
from jax.experimental.pallas import tpu_sc as plsc

K = 100
N_ROWS = 16384
NC = 2
NS = 16
L = 16
NW = NC * NS
ROWS_PER_TILE = N_ROWS // NW
GROUPS = ROWS_PER_TILE // L
PRIOR_LAST = 1.0 - 1.0 / K


def _sigmoid(x):
    return 1.0 / (1.0 + jnp.exp(-x))


_MESH = plsc.VectorSubcoreMesh(core_axis_name="c", subcore_axis_name="s")


@functools.partial(
    pl.kernel,
    out_type=jax.ShapeDtypeStruct((NW, L), jnp.float32),
    mesh=_MESH,
    compiler_params=pltpu.CompilerParams(needs_layout_passes=False,
                                         use_tc_tiling_on_sc=True),
    scratch_types=[
        pltpu.VMEM((K, ROWS_PER_TILE // 4), jnp.float32),
        pltpu.VMEM((K, ROWS_PER_TILE // 4), jnp.float32),
        pltpu.VMEM((K, ROWS_PER_TILE // 4), jnp.float32),
        pltpu.VMEM((K, ROWS_PER_TILE // 4), jnp.float32),
        pltpu.VMEM((ROWS_PER_TILE,), jnp.int32),
        pltpu.VMEM((L,), jnp.float32),
        pltpu.SemaphoreType.DMA,
        pltpu.SemaphoreType.DMA,
        pltpu.SemaphoreType.DMA,
        pltpu.SemaphoreType.DMA,
        pltpu.SemaphoreType.DMA,
    ],
)
def _sc_partials(predt_hbm, y_hbm, out_hbm, buf0, buf1, buf2, buf3,
                 y_v, pv_v, sem0, sem1, sem2, sem3, ysem):
    wid = lax.axis_index("s") * NC + lax.axis_index("c")
    base = wid * ROWS_PER_TILE
    half = ROWS_PER_TILE // 4
    bufs, sems = (buf0, buf1, buf2, buf3), (sem0, sem1, sem2, sem3)
    ycopy = pltpu.async_copy(y_hbm.at[pl.ds(base, ROWS_PER_TILE)], y_v, ysem)
    copies = [
        pltpu.async_copy(predt_hbm.at[:, pl.ds(base + h * half, half)],
                         bufs[h], sems[h])
        for h in range(4)
    ]
    ycopy.wait()

    iota = lax.iota(jnp.int32, L)
    zero = jnp.zeros((L,), jnp.float32)

    def make_group_body(block_v, y_off):
        def group_body(g, carry):
            acc_a, acc_s, acc_n = carry
            off = g * L
            rloc = off + iota
            yv = y_v[pl.ds(y_off + off, L)]
            diag = plsc.load_gather(block_v, [yv, rloc])
            last = block_v[K - 1, pl.ds(off, L)]
            m99 = yv == (K - 1)

            sa = _sigmoid(-diag) + _sigmoid(last)
            acc_a = acc_a + jnp.where(m99, 0.0, sa)
            acc_n = acc_n + jnp.where(m99, 1.0, 0.0)

            def with_max(acc):
                def col_body(t, rm):
                    j = 7 * t
                    for d in range(1, 8):
                        rm = jnp.maximum(rm, block_v[j + d, pl.ds(off, L)])
                    return rm

                rmax = lax.fori_loop(0, 14, col_body, block_v[0, pl.ds(off, L)])
                sv = _sigmoid(rmax) + _sigmoid(-last)
                return acc + jnp.where(m99, sv, 0.0)

            acc_s = lax.cond(jnp.any(m99), with_max, lambda acc: acc, acc_s)
            return acc_a, acc_s, acc_n

        return group_body

    acc = (zero, zero, zero)
    for h in range(4):
        copies[h].wait()
        acc = lax.fori_loop(0, half // L,
                            make_group_body(bufs[h], h * half), acc)
    acc_a, acc_s, acc_n = acc

    p_a = jnp.sum(acc_a)
    p_s = jnp.sum(acc_s)
    p_n = jnp.sum(acc_n)
    pv = jnp.where(iota == 0, p_a,
                   jnp.where(iota == 1, p_s,
                             jnp.where(iota == 2, p_n, 0.0)))
    pv_v[...] = pv
    pltpu.sync_copy(pv_v, out_hbm.at[wid])


def _combine_body(p_ref, o_ref):
    x = p_ref[...]
    lane = lax.broadcasted_iota(jnp.int32, x.shape, 1)
    sum_a = jnp.sum(jnp.where(lane == 0, x, 0.0))
    s99 = jnp.sum(jnp.where(lane == 1, x, 0.0))
    n99 = jnp.sum(jnp.where(lane == 2, x, 0.0))
    mean_v = s99 / jnp.maximum(n99, 1.0)
    core = jnp.abs(mean_v - PRIOR_LAST)
    o_ref[0, 0] = sum_a / N_ROWS + (n99 / N_ROWS) * core


_combine = pl.pallas_call(
    _combine_body,
    out_shape=jax.ShapeDtypeStruct((1, 1), jnp.float32),
    out_specs=pl.BlockSpec(memory_space=pltpu.SMEM),
)


def kernel(pred, y):
    partials = _sc_partials(pred.T, y)
    return _combine(partials)[0, 0]

# --- scband reference (transcript-rebuilt; emitter-appended) ---
"""Pipeline reference for scband-mpan-loss-49744311222414 (READ-ONLY COPY).

The authoritative reference and input builder live on the scoring server;
editing this copy changes nothing except your own understanding.
"""

import jax, jax.numpy as jnp
import numpy as np

K = 100
GAMMA = 1.0
N_ROWS = 16384

# class_prior is uniform 1/K; nosiy=1.0 means r is all-ones, so hat == pi after renorm
_PI = np.full(K, 1.0 / K, dtype=np.float32)
_R = np.ones(K, dtype=np.float32)
_HAT = np.clip(_PI * _R, 1e-12, None)
_HAT = _HAT / _HAT.sum()


def _loss(z):
    # sigmoid base loss: sigmoid(-gamma * z)
    return jax.nn.sigmoid(-GAMMA * z)


def setup_inputs(seed: int = 0) -> dict:
    key = jax.random.key(seed)
    k1, k2 = jax.random.split(key)
    pred = jax.random.normal(k1, (N_ROWS, K), dtype=jnp.float32)
    y = jax.random.randint(k2, (N_ROWS,), 0, K, dtype=jnp.int32)
    return {"pred": pred, "y": y}


def reference(pred, y):
    N = pred.shape[0]
    prior = jnp.asarray(_HAT)
    total = jnp.float32(0.0)
    # gk = loss(-pred[:, -1]) used for all non-last classes
    gk = _loss(-pred[:, -1])
    for i in range(K):
        mask = (y == i).astype(pred.dtype)
        n_i = jnp.sum(mask)
        if i != K - 1:
            gi = _loss(pred[:, i])
            # (n_i / N) * mean_over_masked(gi + gk) == sum(mask * (gi + gk)) / N
            contrib = jnp.sum(mask * (gi + gk)) / N
            total = total + jnp.where(n_i > 0, contrib, 0.0)
        else:
            vals = jnp.max(pred[:, : K - 1], axis=1)
            gi_last = _loss(-vals)
            gk_last = _loss(pred[:, -1])
            mean_v = jnp.sum(mask * (gi_last + gk_last)) / jnp.maximum(n_i, 1.0)
            core = mean_v - (1.0 - prior[i])
            # mode == 'ABS'
            contrib = (n_i / N) * jnp.abs(core)
            total = total + jnp.where(n_i > 0, contrib, 0.0)
    return total

if __name__ == "__main__":
    import jax
    _d = setup_inputs()
    print(jax.jit(kernel)(*tuple(_d.values())))

</pallas_src>

<mosaic_0001>
#map = affine_map<(d0, d1) -> (0, 0)>
#map1 = affine_map<(d0, d1) -> (0)>
module attributes {stable_mosaic.version = 14 : i64} {
  func.func @_sc_partials(%arg0: i32, %arg1: i32, %arg2: memref<100x16384xf32, #tpu.memory_space<hbm>>, %arg3: memref<16384xi32, #tpu.memory_space<hbm>>, %arg4: memref<32x16xf32, #tpu.memory_space<hbm>>, %arg5: memref<100x128xf32, #tpu.memory_space<vmem>>, %arg6: memref<100x128xf32, #tpu.memory_space<vmem>>, %arg7: memref<100x128xf32, #tpu.memory_space<vmem>>, %arg8: memref<100x128xf32, #tpu.memory_space<vmem>>, %arg9: memref<512xi32, #tpu.memory_space<vmem>>, %arg10: memref<16xf32, #tpu.memory_space<vmem>>, %arg11: memref<!tpu.dma_semaphore, #tpu.memory_space<semaphore_mem>>, %arg12: memref<!tpu.dma_semaphore, #tpu.memory_space<semaphore_mem>>, %arg13: memref<!tpu.dma_semaphore, #tpu.memory_space<semaphore_mem>>, %arg14: memref<!tpu.dma_semaphore, #tpu.memory_space<semaphore_mem>>, %arg15: memref<!tpu.dma_semaphore, #tpu.memory_space<semaphore_mem>>) attributes {dimension_semantics = [#tpu.dimension_semantics<core_parallel>, #tpu.dimension_semantics<subcore_parallel>], iteration_bounds = array<i64: 2, 16>, scalar_prefetch = 0 : i64, scratch_operands = 11 : i64, tpu.core_type = #tpu.core_type<sc_vector_subcore>, window_params = [{transform_indices = #map}, {transform_indices = #map1}, {transform_indices = #map}]} {
    %mul3A = arith.constant 2 : i32
    %mul3A_0 = arith.muli %arg1, %mul3A : i32
    %add3A = arith.addi %mul3A_0, %arg0 : i32
    %mul3A_1 = arith.constant 512 : i32
    %mul3A_2 = arith.muli %add3A, %mul3A_1 : i32
    %dma_start3A = tpu.memref_slice %arg3[%mul3A_2] : memref<16384xi32, #tpu.memory_space<hbm>> -> memref<512xi32, #tpu.memory_space<hbm>>
    %dma_start3A_3 = tpu.memref_slice %arg3[%mul3A_2] : memref<16384xi32, #tpu.memory_space<hbm>> -> memref<512xi32, #tpu.memory_space<hbm>>
    tpu.enqueue_dma source(%dma_start3A_3 : memref<512xi32, #tpu.memory_space<hbm>>) target(%arg9 : memref<512xi32, #tpu.memory_space<vmem>>) target_semaphore(%arg15 : memref<!tpu.dma_semaphore, #tpu.memory_space<semaphore_mem>>)
    %add3A_4 = arith.constant 0 : i32
    %add3A_5 = arith.addi %mul3A_2, %add3A_4 : i32
    %dma_start3A_6 = arith.constant 0 : i32
    %dma_start3A_7 = tpu.memref_slice %arg2[%dma_start3A_6, %add3A_5] : memref<100x16384xf32, #tpu.memory_space<hbm>> -> memref<100x128xf32, #tpu.memory_space<hbm>>
    %dma_start3A_8 = arith.constant 0 : i32
    %dma_start3A_9 = tpu.memref_slice %arg2[%dma_start3A_8, %add3A_5] : memref<100x16384xf32, #tpu.memory_space<hbm>> -> memref<100x128xf32, #tpu.memory_space<hbm>>
    tpu.enqueue_dma source(%dma_start3A_9 : memref<100x128xf32, #tpu.memory_space<hbm>>) target(%arg5 : memref<100x128xf32, #tpu.memory_space<vmem>>) target_semaphore(%arg11 : memref<!tpu.dma_semaphore, #tpu.memory_space<semaphore_mem>>)
    %add3A_10 = arith.constant 128 : i32
    %add3A_11 = arith.addi %mul3A_2, %add3A_10 : i32
    %dma_start3A_12 = arith.constant 0 : i32
    %dma_start3A_13 = tpu.memref_slice %arg2[%dma_start3A_12, %add3A_11] : memref<100x16384xf32, #tpu.memory_space<hbm>> -> memref<100x128xf32, #tpu.memory_space<hbm>>
    %dma_start3A_14 = arith.constant 0 : i32
    %dma_start3A_15 = tpu.memref_slice %arg2[%dma_start3A_14, %add3A_11] : memref<100x16384xf32, #tpu.memory_space<hbm>> -> memref<100x128xf32, #tpu.memory_space<hbm>>
    tpu.enqueue_dma source(%dma_start3A_15 : memref<100x128xf32, #tpu.memory_space<hbm>>) target(%arg6 : memref<100x128xf32, #tpu.memory_space<vmem>>) target_semaphore(%arg12 : memref<!tpu.dma_semaphore, #tpu.memory_space<semaphore_mem>>)
    %add3A_16 = arith.constant 256 : i32
    %add3A_17 = arith.addi %mul3A_2, %add3A_16 : i32
    %dma_start3A_18 = arith.constant 0 : i32
    %dma_start3A_19 = tpu.memref_slice %arg2[%dma_start3A_18, %add3A_17] : memref<100x16384xf32, #tpu.memory_space<hbm>> -> memref<100x128xf32, #tpu.memory_space<hbm>>
    %dma_start3A_20 = arith.constant 0 : i32
    %dma_start3A_21 = tpu.memref_slice %arg2[%dma_start3A_20, %add3A_17] : memref<100x16384xf32, #tpu.memory_space<hbm>> -> memref<100x128xf32, #tpu.memory_space<hbm>>
    tpu.enqueue_dma source(%dma_start3A_21 : memref<100x128xf32, #tpu.memory_space<hbm>>) target(%arg7 : memref<100x128xf32, #tpu.memory_space<vmem>>) target_semaphore(%arg13 : memref<!tpu.dma_semaphore, #tpu.memory_space<semaphore_mem>>)
    %add3A_22 = arith.constant 384 : i32
    %add3A_23 = arith.addi %mul3A_2, %add3A_22 : i32
    %dma_start3A_24 = arith.constant 0 : i32
    %dma_start3A_25 = tpu.memref_slice %arg2[%dma_start3A_24, %add3A_23] : memref<100x16384xf32, #tpu.memory_space<hbm>> -> memref<100x128xf32, #tpu.memory_space<hbm>>
    %dma_start3A_26 = arith.constant 0 : i32
    %dma_start3A_27 = tpu.memref_slice %arg2[%dma_start3A_26, %add3A_23] : memref<100x16384xf32, #tpu.memory_space<hbm>> -> memref<100x128xf32, #tpu.memory_space<hbm>>
    tpu.enqueue_dma source(%dma_start3A_27 : memref<100x128xf32, #tpu.memory_space<hbm>>) target(%arg8 : memref<100x128xf32, #tpu.memory_space<vmem>>) target_semaphore(%arg14 : memref<!tpu.dma_semaphore, #tpu.memory_space<semaphore_mem>>)
    %dma_wait3A = tpu.memref_slice %arg3[%mul3A_2] : memref<16384xi32, #tpu.memory_space<hbm>> -> memref<512xi32, #tpu.memory_space<hbm>>
    %dma_wait3A_28 = tpu.memref_slice %arg3[%mul3A_2] : memref<16384xi32, #tpu.memory_space<hbm>> -> memref<512xi32, #tpu.memory_space<hbm>>
    tpu.wait_dma2 semaphore(%arg15 : memref<!tpu.dma_semaphore, #tpu.memory_space<semaphore_mem>>) src(%dma_wait3A_28 : memref<512xi32, #tpu.memory_space<hbm>>) dst(%arg9 : memref<512xi32, #tpu.memory_space<vmem>>)
    %iota3A = tpu.iota {dimensions = array<i32: 0>} : vector<16xi32>
    %broadcast_in_dim3A = arith.constant 0.000000e+00 : f32
    %broadcast_in_dim3A_29 = vector.broadcast %broadcast_in_dim3A : f32 to vector<16xf32>
    %dma_wait3A_30 = arith.constant 0 : i32
    %dma_wait3A_31 = tpu.memref_slice %arg2[%dma_wait3A_30, %add3A_5] : memref<100x16384xf32, #tpu.memory_space<hbm>> -> memref<100x128xf32, #tpu.memory_space<hbm>>
    %dma_wait3A_32 = arith.constant 0 : i32
    %dma_wait3A_33 = tpu.memref_slice %arg2[%dma_wait3A_32, %add3A_5] : memref<100x16384xf32, #tpu.memory_space<hbm>> -> memref<100x128xf32, #tpu.memory_space<hbm>>
    tpu.wait_dma2 semaphore(%arg11 : memref<!tpu.dma_semaphore, #tpu.memory_space<semaphore_mem>>) src(%dma_wait3A_33 : memref<100x128xf32, #tpu.memory_space<hbm>>) dst(%arg5 : memref<100x128xf32, #tpu.memory_space<vmem>>)
    %scan3A = arith.constant 0 : i32
    %scan3A_34 = arith.constant 8 : i32
    %scan3A_35 = arith.addi %scan3A, %scan3A_34 : i32
    %scan3A_36 = arith.constant 1 : i32
    %scan3A_37:3 = scf.for %scan3A_95 = %scan3A to %scan3A_35 step %scan3A_36 iter_args(%scan3A_96 = %broadcast_in_dim3A_29, %scan3A_97 = %broadcast_in_dim3A_29, %scan3A_98 = %broadcast_in_dim3A_29) -> (vector<16xf32>, vector<16xf32>, vector<16xf32>)  : i32 {
      %mul3A_99 = arith.constant 16 : i32
      %mul3A_100 = arith.muli %scan3A_95, %mul3A_99 : i32
      %add3A_101 = vector.broadcast %mul3A_100 : i32 to vector<16xi32>
      %add3A_102 = arith.addi %add3A_101, %iota3A : vector<16xi32>
      %add3A_103 = arith.constant 0 : i32
      %add3A_104 = arith.addi %add3A_103, %mul3A_100 : i32
      %get3A = arith.index_cast %add3A_104 : i32 to index
      %get3A_105 = tpu.vector_load %arg9[%get3A] {strides = array<i32>} : memref<512xi32, #tpu.memory_space<vmem>>, vector<16xi32>,
      %gather3A = tpu.vector_load_idx %arg5[%get3A_105, %add3A_102] : memref<100x128xf32, #tpu.memory_space<vmem>>[vector<16xi32>, vector<16xi32>], vector<16xf32>,
      %get3A_106 = arith.constant 99 : i32
      %get3A_107 = arith.index_cast %get3A_106 : i32 to index
      %get3A_108 = arith.index_cast %mul3A_100 : i32 to index
      %get3A_109 = tpu.vector_load %arg5[%get3A_107, %get3A_108] {strides = array<i32>} : memref<100x128xf32, #tpu.memory_space<vmem>>, vector<16xf32>,
      %eq3A_110 = arith.constant 99 : i32
      %eq3A_111 = vector.broadcast %eq3A_110 : i32 to vector<16xi32>
      %eq3A_112 = arith.cmpi eq, %get3A_105, %eq3A_111 : vector<16xi32>
      %neg3A = arith.constant 0.000000e+00 : f32
      %neg3A_113 = vector.broadcast %neg3A : f32 to vector<16xf32>
      %neg3A_114 = arith.subf %neg3A_113, %gather3A : vector<16xf32>
      %neg3A_115 = arith.constant 0.000000e+00 : f32
      %neg3A_116 = vector.broadcast %neg3A_115 : f32 to vector<16xf32>
      %neg3A_117 = arith.subf %neg3A_116, %neg3A_114 : vector<16xf32>
      %exp3A = math.exp %neg3A_117 : vector<16xf32>
      %add3A_118 = arith.constant 1.000000e+00 : f32
      %add3A_119 = vector.broadcast %add3A_118 : f32 to vector<16xf32>
      %add3A_120 = arith.addf %add3A_119, %exp3A : vector<16xf32>
      %div3A = arith.constant 1.000000e+00 : f32
      %div3A_121 = vector.broadcast %div3A : f32 to vector<16xf32>
      %div3A_122 = arith.divf %div3A_121, %add3A_120 : vector<16xf32>
      %neg3A_123 = arith.constant 0.000000e+00 : f32
      %neg3A_124 = vector.broadcast %neg3A_123 : f32 to vector<16xf32>
      %neg3A_125 = arith.subf %neg3A_124, %get3A_109 : vector<16xf32>
      %exp3A_126 = math.exp %neg3A_125 : vector<16xf32>
      %add3A_127 = arith.constant 1.000000e+00 : f32
      %add3A_128 = vector.broadcast %add3A_127 : f32 to vector<16xf32>
      %add3A_129 = arith.addf %add3A_128, %exp3A_126 : vector<16xf32>
      %div3A_130 = arith.constant 1.000000e+00 : f32
      %div3A_131 = vector.broadcast %div3A_130 : f32 to vector<16xf32>
      %div3A_132 = arith.divf %div3A_131, %add3A_129 : vector<16xf32>
      %add3A_133 = arith.addf %div3A_122, %div3A_132 : vector<16xf32>
      %jit3A_134 = arith.constant 0.000000e+00 : f32
      %broadcast_in_dim3A_135 = vector.broadcast %jit3A_134 : f32 to vector<16xf32>
      %select_n3A_136 = arith.select %eq3A_112, %broadcast_in_dim3A_135, %add3A_133 : vector<16xi1>, vector<16xf32>
      %add3A_137 = arith.addf %scan3A_96, %select_n3A_136 : vector<16xf32>
      %jit3A_138 = arith.constant 1.000000e+00 : f32
      %jit3A_139 = arith.constant 0.000000e+00 : f32
      %broadcast_in_dim3A_140 = vector.broadcast %jit3A_138 : f32 to vector<16xf32>
      %broadcast_in_dim3A_141 = vector.broadcast %jit3A_139 : f32 to vector<16xf32>
      %select_n3A_142 = arith.select %eq3A_112, %broadcast_in_dim3A_140, %broadcast_in_dim3A_141 : vector<16xi1>, vector<16xf32>
      %add3A_143 = arith.addf %scan3A_98, %select_n3A_142 : vector<16xf32>
      %reduce_or3A = arith.constant 1.000000e+00 : f32
      %reduce_or3A_144 = arith.constant 0.000000e+00 : f32
      %reduce_or3A_145 = vector.broadcast %reduce_or3A : f32 to vector<16xf32>
      %reduce_or3A_146 = vector.broadcast %reduce_or3A_144 : f32 to vector<16xf32>
      %reduce_or3A_147 = arith.select %eq3A_112, %reduce_or3A_145, %reduce_or3A_146 : vector<16xi1>, vector<16xf32>
      %reduce_or3A_148 = arith.constant true
      %reduce_or3A_149 = vector.broadcast %reduce_or3A_148 : i1 to vector<16xi1>
      %reduce_or3A_150 = tpu.scan <max>, %reduce_or3A_147 masked %reduce_or3A_149 : vector<16xf32>, vector<16xi1> -> vector<16xf32>
      %reduce_or3A_151 = vector.extract %reduce_or3A_150[15] : f32 from vector<16xf32>
      %reduce_or3A_152 = arith.constant 0.000000e+00 : f32
      %reduce_or3A_153 = arith.cmpf ogt, %reduce_or3A_151, %reduce_or3A_152 : f32
      %convert_element_type3A = arith.extui %reduce_or3A_153 : i1 to i32
      %cond3A = arith.constant 0 : i32
      %cond3A_154 = arith.cmpi ne, %convert_element_type3A, %cond3A : i32
      %cond3A_155 = scf.if %cond3A_154 -> (vector<16xf32>) {
        %get3A_156 = arith.constant 0 : i32
        %get3A_157 = arith.index_cast %get3A_156 : i32 to index
        %get3A_158 = arith.index_cast %mul3A_100 : i32 to index
        %get3A_159 = tpu.vector_load %arg5[%get3A_157, %get3A_158] {strides = array<i32>} : memref<100x128xf32, #tpu.memory_space<vmem>>, vector<16xf32>,
        %scan3A_160 = arith.constant 0 : i32
        %scan3A_161 = arith.constant 14 : i32
        %scan3A_162 = arith.addi %scan3A_160, %scan3A_161 : i32
        %scan3A_163 = arith.constant 1 : i32
        %scan3A_164 = scf.for %scan3A_194 = %scan3A_160 to %scan3A_162 step %scan3A_163 iter_args(%scan3A_195 = %get3A_159) -> (vector<16xf32>)  : i32 {
          %mul3A_196 = arith.constant 7 : i32
          %mul3A_197 = arith.muli %mul3A_196, %scan3A_194 : i32
          %add3A_198 = arith.constant 1 : i32
          %add3A_199 = arith.addi %mul3A_197, %add3A_198 : i32
          %get3A_200 = arith.index_cast %add3A_199 : i32 to index
          %get3A_201 = arith.index_cast %mul3A_100 : i32 to index
          %get3A_202 = tpu.vector_load %arg5[%get3A_200, %get3A_201] {strides = array<i32>} : memref<100x128xf32, #tpu.memory_space<vmem>>, vector<16xf32>,
          %max3A = arith.maximumf %scan3A_195, %get3A_202 : vector<16xf32>
          %add3A_203 = arith.constant 2 : i32
          %add3A_204 = arith.addi %mul3A_197, %add3A_203 : i32
          %get3A_205 = arith.index_cast %add3A_204 : i32 to index
          %get3A_206 = arith.index_cast %mul3A_100 : i32 to index
          %get3A_207 = tpu.vector_load %arg5[%get3A_205, %get3A_206] {strides = array<i32>} : memref<100x128xf32, #tpu.memory_space<vmem>>, vector<16xf32>,
          %max3A_208 = arith.maximumf %max3A, %get3A_207 : vector<16xf32>
          %add3A_209 = arith.constant 3 : i32
          %add3A_210 = arith.addi %mul3A_197, %add3A_209 : i32
          %get3A_211 = arith.index_cast %add3A_210 : i32 to index
          %get3A_212 = arith.index_cast %mul3A_100 : i32 to index
          %get3A_213 = tpu.vector_load %arg5[%get3A_211, %get3A_212] {strides = array<i32>} : memref<100x128xf32, #tpu.memory_space<vmem>>, vector<16xf32>,
          %max3A_214 = arith.maximumf %max3A_208, %get3A_213 : vector<16xf32>
          %add3A_215 = arith.constant 4 : i32
          %add3A_216 = arith.addi %mul3A_197, %add3A_215 : i32
          %get3A_217 = arith.index_cast %add3A_216 : i32 to index
          %get3A_218 = arith.index_cast %mul3A_100 : i32 to index
          %get3A_219 = tpu.vector_load %arg5[%get3A_217, %get3A_218] {strides = array<i32>} : memref<100x128xf32, #tpu.memory_space<vmem>>, vector<16xf32>,
          %max3A_220 = arith.maximumf %max3A_214, %get3A_219 : vector<16xf32>
          %add3A_221 = arith.constant 5 : i32
          %add3A_222 = arith.addi %mul3A_197, %add3A_221 : i32
          %get3A_223 = arith.index_cast %add3A_222 : i32 to index
          %get3A_224 = arith.index_cast %mul3A_100 : i32 to index
          %get3A_225 = tpu.vector_load %arg5[%get3A_223, %get3A_224] {strides = array<i32>} : memref<100x128xf32, #tpu.memory_space<vmem>>, vector<16xf32>,
          %max3A_226 = arith.maximumf %max3A_220, %get3A_225 : vector<16xf32>
          %add3A_227 = arith.constant 6 : i32
          %add3A_228 = arith.addi %mul3A_197, %add3A_227 : i32
          %get3A_229 = arith.index_cast %add3A_228 : i32 to index
          %get3A_230 = arith.index_cast %mul3A_100 : i32 to index
          %get3A_231 = tpu.vector_load %arg5[%get3A_229, %get3A_230] {strides = array<i32>} : memref<100x128xf32, #tpu.memory_space<vmem>>, vector<16xf32>,
          %max3A_232 = arith.maximumf %max3A_226, %get3A_231 : vector<16xf32>
          %add3A_233 = arith.constant 7 : i32
          %add3A_234 = arith.addi %mul3A_197, %add3A_233 : i32
          %get3A_235 = arith.index_cast %add3A_234 : i32 to index
          %get3A_236 = arith.index_cast %mul3A_100 : i32 to index
          %get3A_237 = tpu.vector_load %arg5[%get3A_235, %get3A_236] {strides = array<i32>} : memref<100x128xf32, #tpu.memory_space<vmem>>, vector<16xf32>,
          %max3A_238 = arith.maximumf %max3A_232, %get3A_237 : vector<16xf32>
          scf.yield %max3A_238 : vector<16xf32>
        }
        %scan3A_165 = arith.constant 14 : i32
        %neg3A_166 = arith.constant 0.000000e+00 : f32
        %neg3A_167 = vector.broadcast %neg3A_166 : f32 to vector<16xf32>
        %neg3A_168 = arith.subf %neg3A_167, %scan3A_164 : vector<16xf32>
        %exp3A_169 = math.exp %neg3A_168 : vector<16xf32>
        %add3A_170 = arith.constant 1.000000e+00 : f32
        %add3A_171 = vector.broadcast %add3A_170 : f32 to vector<16xf32>
        %add3A_172 = arith.addf %add3A_171, %exp3A_169 : vector<16xf32>
        %div3A_173 = arith.constant 1.000000e+00 : f32
        %div3A_174 = vector.broadcast %div3A_173 : f32 to vector<16xf32>
        %div3A_175 = arith.divf %div3A_174, %add3A_172 : vector<16xf32>
        %neg3A_176 = arith.constant 0.000000e+00 : f32
        %neg3A_177 = vector.broadcast %neg3A_176 : f32 to vector<16xf32>
        %neg3A_178 = arith.subf %neg3A_177, %get3A_109 : vector<16xf32>
        %neg3A_179 = arith.constant 0.000000e+00 : f32
        %neg3A_180 = vector.broadcast %neg3A_179 : f32 to vector<16xf32>
        %neg3A_181 = arith.subf %neg3A_180, %neg3A_178 : vector<16xf32>
        %exp3A_182 = math.exp %neg3A_181 : vector<16xf32>
        %add3A_183 = arith.constant 1.000000e+00 : f32
        %add3A_184 = vector.broadcast %add3A_183 : f32 to vector<16xf32>
        %add3A_185 = arith.addf %add3A_184, %exp3A_182 : vector<16xf32>
        %div3A_186 = arith.constant 1.000000e+00 : f32
        %div3A_187 = vector.broadcast %div3A_186 : f32 to vector<16xf32>
        %div3A_188 = arith.divf %div3A_187, %add3A_185 : vector<16xf32>
        %add3A_189 = arith.addf %div3A_175, %div3A_188 : vector<16xf32>
        %jit3A_190 = arith.constant 0.000000e+00 : f32
        %broadcast_in_dim3A_191 = vector.broadcast %jit3A_190 : f32 to vector<16xf32>
        %select_n3A_192 = arith.select %eq3A_112, %add3A_189, %broadcast_in_dim3A_191 : vector<16xi1>, vector<16xf32>
        %add3A_193 = arith.addf %scan3A_97, %select_n3A_192 : vector<16xf32>
        scf.yield %add3A_193 : vector<16xf32>
      } else {
        scf.yield %scan3A_97 : vector<16xf32>
      }
      scf.yield %add3A_137, %cond3A_155, %add3A_143 : vector<16xf32>, vector<16xf32>, vector<16xf32>
    }
    %scan3A_38 = arith.constant 8 : i32
    %dma_wait3A_39 = arith.constant 0 : i32
    %dma_wait3A_40 = tpu.memref_slice %arg2[%dma_wait3A_39, %add3A_11] : memref<100x16384xf32, #tpu.memory_space<hbm>> -> memref<100x128xf32, #tpu.memory_space<hbm>>
    %dma_wait3A_41 = arith.constant 0 : i32
    %dma_wait3A_42 = tpu.memref_slice %arg2[%dma_wait3A_41, %add3A_11] : memref<100x16384xf32, #tpu.memory_space<hbm>> -> memref<100x128xf32, #tpu.memory_space<hbm>>
    tpu.wait_dma2 semaphore(%arg12 : memref<!tpu.dma_semaphore, #tpu.memory_space<semaphore_mem>>) src(%dma_wait3A_42 : memref<100x128xf32, #tpu.memory_space<hbm>>) dst(%arg6 : memref<100x128xf32, #tpu.memory_space<vmem>>)
    %scan3A_43 = arith.constant 0 : i32
    %scan3A_44 = arith.constant 8 : i32
    %scan3A_45 = arith.addi %scan3A_43, %scan3A_44 : i32
    %scan3A_46 = arith.constant 1 : i32
    %scan3A_47:3 = scf.for %scan3A_95 = %scan3A_43 to %scan3A_45 step %scan3A_46 iter_args(%scan3A_96 = %scan3A_37#0, %scan3A_97 = %scan3A_37#1, %scan3A_98 = %scan3A_37#2) -> (vector<16xf32>, vector<16xf32>, vector<16xf32>)  : i32 {
      %mul3A_99 = arith.constant 16 : i32
      %mul3A_100 = arith.muli %scan3A_95, %mul3A_99 : i32
      %add3A_101 = vector.broadcast %mul3A_100 : i32 to vector<16xi32>
      %add3A_102 = arith.addi %add3A_101, %iota3A : vector<16xi32>
      %add3A_103 = arith.constant 128 : i32
      %add3A_104 = arith.addi %add3A_103, %mul3A_100 : i32
      %get3A = arith.index_cast %add3A_104 : i32 to index
      %get3A_105 = tpu.vector_load %arg9[%get3A] {strides = array<i32>} : memref<512xi32, #tpu.memory_space<vmem>>, vector<16xi32>,
      %gather3A = tpu.vector_load_idx %arg6[%get3A_105, %add3A_102] : memref<100x128xf32, #tpu.memory_space<vmem>>[vector<16xi32>, vector<16xi32>], vector<16xf32>,
      %get3A_106 = arith.constant 99 : i32
      %get3A_107 = arith.index_cast %get3A_106 : i32 to index
      %get3A_108 = arith.index_cast %mul3A_100 : i32 to index
      %get3A_109 = tpu.vector_load %arg6[%get3A_107, %get3A_108] {strides = array<i32>} : memref<100x128xf32, #tpu.memory_space<vmem>>, vector<16xf32>,
      %eq3A_110 = arith.constant 99 : i32
      %eq3A_111 = vector.broadcast %eq3A_110 : i32 to vector<16xi32>
      %eq3A_112 = arith.cmpi eq, %get3A_105, %eq3A_111 : vector<16xi32>
      %neg3A = arith.constant 0.000000e+00 : f32
      %neg3A_113 = vector.broadcast %neg3A : f32 to vector<16xf32>
      %neg3A_114 = arith.subf %neg3A_113, %gather3A : vector<16xf32>
      %neg3A_115 = arith.constant 0.000000e+00 : f32
      %neg3A_116 = vector.broadcast %neg3A_115 : f32 to vector<16xf32>
      %neg3A_117 = arith.subf %neg3A_116, %neg3A_114 : vector<16xf32>
      %exp3A = math.exp %neg3A_117 : vector<16xf32>
      %add3A_118 = arith.constant 1.000000e+00 : f32
      %add3A_119 = vector.broadcast %add3A_118 : f32 to vector<16xf32>
      %add3A_120 = arith.addf %add3A_119, %exp3A : vector<16xf32>
      %div3A = arith.constant 1.000000e+00 : f32
      %div3A_121 = vector.broadcast %div3A : f32 to vector<16xf32>
      %div3A_122 = arith.divf %div3A_121, %add3A_120 : vector<16xf32>
      %neg3A_123 = arith.constant 0.000000e+00 : f32
      %neg3A_124 = vector.broadcast %neg3A_123 : f32 to vector<16xf32>
      %neg3A_125 = arith.subf %neg3A_124, %get3A_109 : vector<16xf32>
      %exp3A_126 = math.exp %neg3A_125 : vector<16xf32>
      %add3A_127 = arith.constant 1.000000e+00 : f32
      %add3A_128 = vector.broadcast %add3A_127 : f32 to vector<16xf32>
      %add3A_129 = arith.addf %add3A_128, %exp3A_126 : vector<16xf32>
      %div3A_130 = arith.constant 1.000000e+00 : f32
      %div3A_131 = vector.broadcast %div3A_130 : f32 to vector<16xf32>
      %div3A_132 = arith.divf %div3A_131, %add3A_129 : vector<16xf32>
      %add3A_133 = arith.addf %div3A_122, %div3A_132 : vector<16xf32>
      %jit3A_134 = arith.constant 0.000000e+00 : f32
      %broadcast_in_dim3A_135 = vector.broadcast %jit3A_134 : f32 to vector<16xf32>
      %select_n3A_136 = arith.select %eq3A_112, %broadcast_in_dim3A_135, %add3A_133 : vector<16xi1>, vector<16xf32>
      %add3A_137 = arith.addf %scan3A_96, %select_n3A_136 : vector<16xf32>
      %jit3A_138 = arith.constant 1.000000e+00 : f32
      %jit3A_139 = arith.constant 0.000000e+00 : f32
      %broadcast_in_dim3A_140 = vector.broadcast %jit3A_138 : f32 to vector<16xf32>
      %broadcast_in_dim3A_141 = vector.broadcast %jit3A_139 : f32 to vector<16xf32>
      %select_n3A_142 = arith.select %eq3A_112, %broadcast_in_dim3A_140, %broadcast_in_dim3A_141 : vector<16xi1>, vector<16xf32>
      %add3A_143 = arith.addf %scan3A_98, %select_n3A_142 : vector<16xf32>
      %reduce_or3A = arith.constant 1.000000e+00 : f32
      %reduce_or3A_144 = arith.constant 0.000000e+00 : f32
      %reduce_or3A_145 = vector.broadcast %reduce_or3A : f32 to vector<16xf32>
      %reduce_or3A_146 = vector.broadcast %reduce_or3A_144 : f32 to vector<16xf32>
      %reduce_or3A_147 = arith.select %eq3A_112, %reduce_or3A_145, %reduce_or3A_146 : vector<16xi1>, vector<16xf32>
      %reduce_or3A_148 = arith.constant true
      %reduce_or3A_149 = vector.broadcast %reduce_or3A_148 : i1 to vector<16xi1>
      %reduce_or3A_150 = tpu.scan <max>, %reduce_or3A_147 masked %reduce_or3A_149 : vector<16xf32>, vector<16xi1> -> vector<16xf32>
      %reduce_or3A_151 = vector.extract %reduce_or3A_150[15] : f32 from vector<16xf32>
      %reduce_or3A_152 = arith.constant 0.000000e+00 : f32
      %reduce_or3A_153 = arith.cmpf ogt, %reduce_or3A_151, %reduce_or3A_152 : f32
      %convert_element_type3A = arith.extui %reduce_or3A_153 : i1 to i32
      %cond3A = arith.constant 0 : i32
      %cond3A_154 = arith.cmpi ne, %convert_element_type3A, %cond3A : i32
      %cond3A_155 = scf.if %cond3A_154 -> (vector<16xf32>) {
        %get3A_156 = arith.constant 0 : i32
        %get3A_157 = arith.index_cast %get3A_156 : i32 to index
        %get3A_158 = arith.index_cast %mul3A_100 : i32 to index
        %get3A_159 = tpu.vector_load %arg6[%get3A_157, %get3A_158] {strides = array<i32>} : memref<100x128xf32, #tpu.memory_space<vmem>>, vector<16xf32>,
        %scan3A_160 = arith.constant 0 : i32
        %scan3A_161 = arith.constant 14 : i32
        %scan3A_162 = arith.addi %scan3A_160, %scan3A_161 : i32
        %scan3A_163 = arith.constant 1 : i32
        %scan3A_164 = scf.for %scan3A_194 = %scan3A_160 to %scan3A_162 step %scan3A_163 iter_args(%scan3A_195 = %get3A_159) -> (vector<16xf32>)  : i32 {
          %mul3A_196 = arith.constant 7 : i32
          %mul3A_197 = arith.muli %mul3A_196, %scan3A_194 : i32
          %add3A_198 = arith.constant 1 : i32
          %add3A_199 = arith.addi %mul3A_197, %add3A_198 : i32
          %get3A_200 = arith.index_cast %add3A_199 : i32 to index
          %get3A_201 = arith.index_cast %mul3A_100 : i32 to index
          %get3A_202 = tpu.vector_load %arg6[%get3A_200, %get3A_201] {strides = array<i32>} : memref<100x128xf32, #tpu.memory_space<vmem>>, vector<16xf32>,
          %max3A = arith.maximumf %scan3A_195, %get3A_202 : vector<16xf32>
          %add3A_203 = arith.constant 2 : i32
          %add3A_204 = arith.addi %mul3A_197, %add3A_203 : i32
          %get3A_205 = arith.index_cast %add3A_204 : i32 to index
          %get3A_206 = arith.index_cast %mul3A_100 : i32 to index
          %get3A_207 = tpu.vector_load %arg6[%get3A_205, %get3A_206] {strides = array<i32>} : memref<100x128xf32, #tpu.memory_space<vmem>>, vector<16xf32>,
          %max3A_208 = arith.maximumf %max3A, %get3A_207 : vector<16xf32>
          %add3A_209 = arith.constant 3 : i32
          %add3A_210 = arith.addi %mul3A_197, %add3A_209 : i32
          %get3A_211 = arith.index_cast %add3A_210 : i32 to index
          %get3A_212 = arith.index_cast %mul3A_100 : i32 to index
          %get3A_213 = tpu.vector_load %arg6[%get3A_211, %get3A_212] {strides = array<i32>} : memref<100x128xf32, #tpu.memory_space<vmem>>, vector<16xf32>,
          %max3A_214 = arith.maximumf %max3A_208, %get3A_213 : vector<16xf32>
          %add3A_215 = arith.constant 4 : i32
          %add3A_216 = arith.addi %mul3A_197, %add3A_215 : i32
          %get3A_217 = arith.index_cast %add3A_216 : i32 to index
          %get3A_218 = arith.index_cast %mul3A_100 : i32 to index
          %get3A_219 = tpu.vector_load %arg6[%get3A_217, %get3A_218] {strides = array<i32>} : memref<100x128xf32, #tpu.memory_space<vmem>>, vector<16xf32>,
          %max3A_220 = arith.maximumf %max3A_214, %get3A_219 : vector<16xf32>
          %add3A_221 = arith.constant 5 : i32
          %add3A_222 = arith.addi %mul3A_197, %add3A_221 : i32
          %get3A_223 = arith.index_cast %add3A_222 : i32 to index
          %get3A_224 = arith.index_cast %mul3A_100 : i32 to index
          %get3A_225 = tpu.vector_load %arg6[%get3A_223, %get3A_224] {strides = array<i32>} : memref<100x128xf32, #tpu.memory_space<vmem>>, vector<16xf32>,
          %max3A_226 = arith.maximumf %max3A_220, %get3A_225 : vector<16xf32>
          %add3A_227 = arith.constant 6 : i32
          %add3A_228 = arith.addi %mul3A_197, %add3A_227 : i32
          %get3A_229 = arith.index_cast %add3A_228 : i32 to index
          %get3A_230 = arith.index_cast %mul3A_100 : i32 to index
          %get3A_231 = tpu.vector_load %arg6[%get3A_229, %get3A_230] {strides = array<i32>} : memref<100x128xf32, #tpu.memory_space<vmem>>, vector<16xf32>,
          %max3A_232 = arith.maximumf %max3A_226, %get3A_231 : vector<16xf32>
          %add3A_233 = arith.constant 7 : i32
          %add3A_234 = arith.addi %mul3A_197, %add3A_233 : i32
          %get3A_235 = arith.index_cast %add3A_234 : i32 to index
          %get3A_236 = arith.index_cast %mul3A_100 : i32 to index
          %get3A_237 = tpu.vector_load %arg6[%get3A_235, %get3A_236] {strides = array<i32>} : memref<100x128xf32, #tpu.memory_space<vmem>>, vector<16xf32>,
          %max3A_238 = arith.maximumf %max3A_232, %get3A_237 : vector<16xf32>
          scf.yield %max3A_238 : vector<16xf32>
        }
        %scan3A_165 = arith.constant 14 : i32
        %neg3A_166 = arith.constant 0.000000e+00 : f32
        %neg3A_167 = vector.broadcast %neg3A_166 : f32 to vector<16xf32>
        %neg3A_168 = arith.subf %neg3A_167, %scan3A_164 : vector<16xf32>
        %exp3A_169 = math.exp %neg3A_168 : vector<16xf32>
        %add3A_170 = arith.constant 1.000000e+00 : f32
        %add3A_171 = vector.broadcast %add3A_170 : f32 to vector<16xf32>
        %add3A_172 = arith.addf %add3A_171, %exp3A_169 : vector<16xf32>
        %div3A_173 = arith.constant 1.000000e+00 : f32
        %div3A_174 = vector.broadcast %div3A_173 : f32 to vector<16xf32>
        %div3A_175 = arith.divf %div3A_174, %add3A_172 : vector<16xf32>
        %neg3A_176 = arith.constant 0.000000e+00 : f32
        %neg3A_177 = vector.broadcast %neg3A_176 : f32 to vector<16xf32>
        %neg3A_178 = arith.subf %neg3A_177, %get3A_109 : vector<16xf32>
        %neg3A_179 = arith.constant 0.000000e+00 : f32
        %neg3A_180 = vector.broadcast %neg3A_179 : f32 to vector<16xf32>
        %neg3A_181 = arith.subf %neg3A_180, %neg3A_178 : vector<16xf32>
        %exp3A_182 = math.exp %neg3A_181 : vector<16xf32>
        %add3A_183 = arith.constant 1.000000e+00 : f32
        %add3A_184 = vector.broadcast %add3A_183 : f32 to vector<16xf32>
        %add3A_185 = arith.addf %add3A_184, %exp3A_182 : vector<16xf32>
        %div3A_186 = arith.constant 1.000000e+00 : f32
        %div3A_187 = vector.broadcast %div3A_186 : f32 to vector<16xf32>
        %div3A_188 = arith.divf %div3A_187, %add3A_185 : vector<16xf32>
        %add3A_189 = arith.addf %div3A_175, %div3A_188 : vector<16xf32>
        %jit3A_190 = arith.constant 0.000000e+00 : f32
        %broadcast_in_dim3A_191 = vector.broadcast %jit3A_190 : f32 to vector<16xf32>
        %select_n3A_192 = arith.select %eq3A_112, %add3A_189, %broadcast_in_dim3A_191 : vector<16xi1>, vector<16xf32>
        %add3A_193 = arith.addf %scan3A_97, %select_n3A_192 : vector<16xf32>
        scf.yield %add3A_193 : vector<16xf32>
      } else {
        scf.yield %scan3A_97 : vector<16xf32>
      }
      scf.yield %add3A_137, %cond3A_155, %add3A_143 : vector<16xf32>, vector<16xf32>, vector<16xf32>
    }
    %scan3A_48 = arith.constant 8 : i32
    %dma_wait3A_49 = arith.constant 0 : i32
    %dma_wait3A_50 = tpu.memref_slice %arg2[%dma_wait3A_49, %add3A_17] : memref<100x16384xf32, #tpu.memory_space<hbm>> -> memref<100x128xf32, #tpu.memory_space<hbm>>
    %dma_wait3A_51 = arith.constant 0 : i32
    %dma_wait3A_52 = tpu.memref_slice %arg2[%dma_wait3A_51, %add3A_17] : memref<100x16384xf32, #tpu.memory_space<hbm>> -> memref<100x128xf32, #tpu.memory_space<hbm>>
    tpu.wait_dma2 semaphore(%arg13 : memref<!tpu.dma_semaphore, #tpu.memory_space<semaphore_mem>>) src(%dma_wait3A_52 : memref<100x128xf32, #tpu.memory_space<hbm>>) dst(%arg7 : memref<100x128xf32, #tpu.memory_space<vmem>>)
    %scan3A_53 = arith.constant 0 : i32
    %scan3A_54 = arith.constant 8 : i32
    %scan3A_55 = arith.addi %scan3A_53, %scan3A_54 : i32
    %scan3A_56 = arith.constant 1 : i32
    %scan3A_57:3 = scf.for %scan3A_95 = %scan3A_53 to %scan3A_55 step %scan3A_56 iter_args(%scan3A_96 = %scan3A_47#0, %scan3A_97 = %scan3A_47#1, %scan3A_98 = %scan3A_47#2) -> (vector<16xf32>, vector<16xf32>, vector<16xf32>)  : i32 {
      %mul3A_99 = arith.constant 16 : i32
      %mul3A_100 = arith.muli %scan3A_95, %mul3A_99 : i32
      %add3A_101 = vector.broadcast %mul3A_100 : i32 to vector<16xi32>
      %add3A_102 = arith.addi %add3A_101, %iota3A : vector<16xi32>
      %add3A_103 = arith.constant 256 : i32
      %add3A_104 = arith.addi %add3A_103, %mul3A_100 : i32
      %get3A = arith.index_cast %add3A_104 : i32 to index
      %get3A_105 = tpu.vector_load %arg9[%get3A] {strides = array<i32>} : memref<512xi32, #tpu.memory_space<vmem>>, vector<16xi32>,
      %gather3A = tpu.vector_load_idx %arg7[%get3A_105, %add3A_102] : memref<100x128xf32, #tpu.memory_space<vmem>>[vector<16xi32>, vector<16xi32>], vector<16xf32>,
      %get3A_106 = arith.constant 99 : i32
      %get3A_107 = arith.index_cast %get3A_106 : i32 to index
      %get3A_108 = arith.index_cast %mul3A_100 : i32 to index
      %get3A_109 = tpu.vector_load %arg7[%get3A_107, %get3A_108] {strides = array<i32>} : memref<100x128xf32, #tpu.memory_space<vmem>>, vector<16xf32>,
      %eq3A_110 = arith.constant 99 : i32
      %eq3A_111 = vector.broadcast %eq3A_110 : i32 to vector<16xi32>
      %eq3A_112 = arith.cmpi eq, %get3A_105, %eq3A_111 : vector<16xi32>
      %neg3A = arith.constant 0.000000e+00 : f32
      %neg3A_113 = vector.broadcast %neg3A : f32 to vector<16xf32>
      %neg3A_114 = arith.subf %neg3A_113, %gather3A : vector<16xf32>
      %neg3A_115 = arith.constant 0.000000e+00 : f32
      %neg3A_116 = vector.broadcast %neg3A_115 : f32 to vector<16xf32>
      %neg3A_117 = arith.subf %neg3A_116, %neg3A_114 : vector<16xf32>
      %exp3A = math.exp %neg3A_117 : vector<16xf32>
      %add3A_118 = arith.constant 1.000000e+00 : f32
      %add3A_119 = vector.broadcast %add3A_118 : f32 to vector<16xf32>
      %add3A_120 = arith.addf %add3A_119, %exp3A : vector<16xf32>
      %div3A = arith.constant 1.000000e+00 : f32
      %div3A_121 = vector.broadcast %div3A : f32 to vector<16xf32>
      %div3A_122 = arith.divf %div3A_121, %add3A_120 : vector<16xf32>
      %neg3A_123 = arith.constant 0.000000e+00 : f32
      %neg3A_124 = vector.broadcast %neg3A_123 : f32 to vector<16xf32>
      %neg3A_125 = arith.subf %neg3A_124, %get3A_109 : vector<16xf32>
      %exp3A_126 = math.exp %neg3A_125 : vector<16xf32>
      %add3A_127 = arith.constant 1.000000e+00 : f32
      %add3A_128 = vector.broadcast %add3A_127 : f32 to vector<16xf32>
      %add3A_129 = arith.addf %add3A_128, %exp3A_126 : vector<16xf32>
      %div3A_130 = arith.constant 1.000000e+00 : f32
      %div3A_131 = vector.broadcast %div3A_130 : f32 to vector<16xf32>
      %div3A_132 = arith.divf %div3A_131, %add3A_129 : vector<16xf32>
      %add3A_133 = arith.addf %div3A_122, %div3A_132 : vector<16xf32>
      %jit3A_134 = arith.constant 0.000000e+00 : f32
      %broadcast_in_dim3A_135 = vector.broadcast %jit3A_134 : f32 to vector<16xf32>
      %select_n3A_136 = arith.select %eq3A_112, %broadcast_in_dim3A_135, %add3A_133 : vector<16xi1>, vector<16xf32>
      %add3A_137 = arith.addf %scan3A_96, %select_n3A_136 : vector<16xf32>
      %jit3A_138 = arith.constant 1.000000e+00 : f32
      %jit3A_139 = arith.constant 0.000000e+00 : f32
      %broadcast_in_dim3A_140 = vector.broadcast %jit3A_138 : f32 to vector<16xf32>
      %broadcast_in_dim3A_141 = vector.broadcast %jit3A_139 : f32 to vector<16xf32>
      %select_n3A_142 = arith.select %eq3A_112, %broadcast_in_dim3A_140, %broadcast_in_dim3A_141 : vector<16xi1>, vector<16xf32>
      %add3A_143 = arith.addf %scan3A_98, %select_n3A_142 : vector<16xf32>
      %reduce_or3A = arith.constant 1.000000e+00 : f32
      %reduce_or3A_144 = arith.constant 0.000000e+00 : f32
      %reduce_or3A_145 = vector.broadcast %reduce_or3A : f32 to vector<16xf32>
      %reduce_or3A_146 = vector.broadcast %reduce_or3A_144 : f32 to vector<16xf32>
      %reduce_or3A_147 = arith.select %eq3A_112, %reduce_or3A_145, %reduce_or3A_146 : vector<16xi1>, vector<16xf32>
      %reduce_or3A_148 = arith.constant true
      %reduce_or3A_149 = vector.broadcast %reduce_or3A_148 : i1 to vector<16xi1>
      %reduce_or3A_150 = tpu.scan <max>, %reduce_or3A_147 masked %reduce_or3A_149 : vector<16xf32>, vector<16xi1> -> vector<16xf32>
      %reduce_or3A_151 = vector.extract %reduce_or3A_150[15] : f32 from vector<16xf32>
      %reduce_or3A_152 = arith.constant 0.000000e+00 : f32
      %reduce_or3A_153 = arith.cmpf ogt, %reduce_or3A_151, %reduce_or3A_152 : f32
      %convert_element_type3A = arith.extui %reduce_or3A_153 : i1 to i32
      %cond3A = arith.constant 0 : i32
      %cond3A_154 = arith.cmpi ne, %convert_element_type3A, %cond3A : i32
      %cond3A_155 = scf.if %cond3A_154 -> (vector<16xf32>) {
        %get3A_156 = arith.constant 0 : i32
        %get3A_157 = arith.index_cast %get3A_156 : i32 to index
        %get3A_158 = arith.index_cast %mul3A_100 : i32 to index
        %get3A_159 = tpu.vector_load %arg7[%get3A_157, %get3A_158] {strides = array<i32>} : memref<100x128xf32, #tpu.memory_space<vmem>>, vector<16xf32>,
        %scan3A_160 = arith.constant 0 : i32
        %scan3A_161 = arith.constant 14 : i32
        %scan3A_162 = arith.addi %scan3A_160, %scan3A_161 : i32
        %scan3A_163 = arith.constant 1 : i32
        %scan3A_164 = scf.for %scan3A_194 = %scan3A_160 to %scan3A_162 step %scan3A_163 iter_args(%scan3A_195 = %get3A_159) -> (vector<16xf32>)  : i32 {
          %mul3A_196 = arith.constant 7 : i32
          %mul3A_197 = arith.muli %mul3A_196, %scan3A_194 : i32
          %add3A_198 = arith.constant 1 : i32
          %add3A_199 = arith.addi %mul3A_197, %add3A_198 : i32
          %get3A_200 = arith.index_cast %add3A_199 : i32 to index
          %get3A_201 = arith.index_cast %mul3A_100 : i32 to index
          %get3A_202 = tpu.vector_load %arg7[%get3A_200, %get3A_201] {strides = array<i32>} : memref<100x128xf32, #tpu.memory_space<vmem>>, vector<16xf32>,
          %max3A = arith.maximumf %scan3A_195, %get3A_202 : vector<16xf32>
          %add3A_203 = arith.constant 2 : i32
          %add3A_204 = arith.addi %mul3A_197, %add3A_203 : i32
          %get3A_205 = arith.index_cast %add3A_204 : i32 to index
          %get3A_206 = arith.index_cast %mul3A_100 : i32 to index
          %get3A_207 = tpu.vector_load %arg7[%get3A_205, %get3A_206] {strides = array<i32>} : memref<100x128xf32, #tpu.memory_space<vmem>>, vector<16xf32>,
          %max3A_208 = arith.maximumf %max3A, %get3A_207 : vector<16xf32>
          %add3A_209 = arith.constant 3 : i32
          %add3A_210 = arith.addi %mul3A_197, %add3A_209 : i32
          %get3A_211 = arith.index_cast %add3A_210 : i32 to index
          %get3A_212 = arith.index_cast %mul3A_100 : i32 to index
          %get3A_213 = tpu.vector_load %arg7[%get3A_211, %get3A_212] {strides = array<i32>} : memref<100x128xf32, #tpu.memory_space<vmem>>, vector<16xf32>,
          %max3A_214 = arith.maximumf %max3A_208, %get3A_213 : vector<16xf32>
          %add3A_215 = arith.constant 4 : i32
          %add3A_216 = arith.addi %mul3A_197, %add3A_215 : i32
          %get3A_217 = arith.index_cast %add3A_216 : i32 to index
          %get3A_218 = arith.index_cast %mul3A_100 : i32 to index
          %get3A_219 = tpu.vector_load %arg7[%get3A_217, %get3A_218] {strides = array<i32>} : memref<100x128xf32, #tpu.memory_space<vmem>>, vector<16xf32>,
          %max3A_220 = arith.maximumf %max3A_214, %get3A_219 : vector<16xf32>
          %add3A_221 = arith.constant 5 : i32
          %add3A_222 = arith.addi %mul3A_197, %add3A_221 : i32
          %get3A_223 = arith.index_cast %add3A_222 : i32 to index
          %get3A_224 = arith.index_cast %mul3A_100 : i32 to index
          %get3A_225 = tpu.vector_load %arg7[%get3A_223, %get3A_224] {strides = array<i32>} : memref<100x128xf32, #tpu.memory_space<vmem>>, vector<16xf32>,
          %max3A_226 = arith.maximumf %max3A_220, %get3A_225 : vector<16xf32>
          %add3A_227 = arith.constant 6 : i32
          %add3A_228 = arith.addi %mul3A_197, %add3A_227 : i32
          %get3A_229 = arith.index_cast %add3A_228 : i32 to index
          %get3A_230 = arith.index_cast %mul3A_100 : i32 to index
          %get3A_231 = tpu.vector_load %arg7[%get3A_229, %get3A_230] {strides = array<i32>} : memref<100x128xf32, #tpu.memory_space<vmem>>, vector<16xf32>,
          %max3A_232 = arith.maximumf %max3A_226, %get3A_231 : vector<16xf32>
          %add3A_233 = arith.constant 7 : i32
          %add3A_234 = arith.addi %mul3A_197, %add3A_233 : i32
          %get3A_235 = arith.index_cast %add3A_234 : i32 to index
          %get3A_236 = arith.index_cast %mul3A_100 : i32 to index
          %get3A_237 = tpu.vector_load %arg7[%get3A_235, %get3A_236] {strides = array<i32>} : memref<100x128xf32, #tpu.memory_space<vmem>>, vector<16xf32>,
          %max3A_238 = arith.maximumf %max3A_232, %get3A_237 : vector<16xf32>
          scf.yield %max3A_238 : vector<16xf32>
        }
        %scan3A_165 = arith.constant 14 : i32
        %neg3A_166 = arith.constant 0.000000e+00 : f32
        %neg3A_167 = vector.broadcast %neg3A_166 : f32 to vector<16xf32>
        %neg3A_168 = arith.subf %neg3A_167, %scan3A_164 : vector<16xf32>
        %exp3A_169 = math.exp %neg3A_168 : vector<16xf32>
        %add3A_170 = arith.constant 1.000000e+00 : f32
        %add3A_171 = vector.broadcast %add3A_170 : f32 to vector<16xf32>
        %add3A_172 = arith.addf %add3A_171, %exp3A_169 : vector<16xf32>
        %div3A_173 = arith.constant 1.000000e+00 : f32
        %div3A_174 = vector.broadcast %div3A_173 : f32 to vector<16xf32>
        %div3A_175 = arith.divf %div3A_174, %add3A_172 : vector<16xf32>
        %neg3A_176 = arith.constant 0.000000e+00 : f32
        %neg3A_177 = vector.broadcast %neg3A_176 : f32 to vector<16xf32>
        %neg3A_178 = arith.subf %neg3A_177, %get3A_109 : vector<16xf32>
        %neg3A_179 = arith.constant 0.000000e+00 : f32
        %neg3A_180 = vector.broadcast %neg3A_179 : f32 to vector<16xf32>
        %neg3A_181 = arith.subf %neg3A_180, %neg3A_178 : vector<16xf32>
        %exp3A_182 = math.exp %neg3A_181 : vector<16xf32>
        %add3A_183 = arith.constant 1.000000e+00 : f32
        %add3A_184 = vector.broadcast %add3A_183 : f32 to vector<16xf32>
        %add3A_185 = arith.addf %add3A_184, %exp3A_182 : vector<16xf32>
        %div3A_186 = arith.constant 1.000000e+00 : f32
        %div3A_187 = vector.broadcast %div3A_186 : f32 to vector<16xf32>
        %div3A_188 = arith.divf %div3A_187, %add3A_185 : vector<16xf32>
        %add3A_189 = arith.addf %div3A_175, %div3A_188 : vector<16xf32>
        %jit3A_190 = arith.constant 0.000000e+00 : f32
        %broadcast_in_dim3A_191 = vector.broadcast %jit3A_190 : f32 to vector<16xf32>
        %select_n3A_192 = arith.select %eq3A_112, %add3A_189, %broadcast_in_dim3A_191 : vector<16xi1>, vector<16xf32>
        %add3A_193 = arith.addf %scan3A_97, %select_n3A_192 : vector<16xf32>
        scf.yield %add3A_193 : vector<16xf32>
      } else {
        scf.yield %scan3A_97 : vector<16xf32>
      }
      scf.yield %add3A_137, %cond3A_155, %add3A_143 : vector<16xf32>, vector<16xf32>, vector<16xf32>
    }
    %scan3A_58 = arith.constant 8 : i32
    %dma_wait3A_59 = arith.constant 0 : i32
    %dma_wait3A_60 = tpu.memref_slice %arg2[%dma_wait3A_59, %add3A_23] : memref<100x16384xf32, #tpu.memory_space<hbm>> -> memref<100x128xf32, #tpu.memory_space<hbm>>
    %dma_wait3A_61 = arith.constant 0 : i32
    %dma_wait3A_62 = tpu.memref_slice %arg2[%dma_wait3A_61, %add3A_23] : memref<100x16384xf32, #tpu.memory_space<hbm>> -> memref<100x128xf32, #tpu.memory_space<hbm>>
    tpu.wait_dma2 semaphore(%arg14 : memref<!tpu.dma_semaphore, #tpu.memory_space<semaphore_mem>>) src(%dma_wait3A_62 : memref<100x128xf32, #tpu.memory_space<hbm>>) dst(%arg8 : memref<100x128xf32, #tpu.memory_space<vmem>>)
    %scan3A_63 = arith.constant 0 : i32
    %scan3A_64 = arith.constant 8 : i32
    %scan3A_65 = arith.addi %scan3A_63, %scan3A_64 : i32
    %scan3A_66 = arith.constant 1 : i32
    %scan3A_67:3 = scf.for %scan3A_95 = %scan3A_63 to %scan3A_65 step %scan3A_66 iter_args(%scan3A_96 = %scan3A_57#0, %scan3A_97 = %scan3A_57#1, %scan3A_98 = %scan3A_57#2) -> (vector<16xf32>, vector<16xf32>, vector<16xf32>)  : i32 {
      %mul3A_99 = arith.constant 16 : i32
      %mul3A_100 = arith.muli %scan3A_95, %mul3A_99 : i32
      %add3A_101 = vector.broadcast %mul3A_100 : i32 to vector<16xi32>
      %add3A_102 = arith.addi %add3A_101, %iota3A : vector<16xi32>
      %add3A_103 = arith.constant 384 : i32
      %add3A_104 = arith.addi %add3A_103, %mul3A_100 : i32
      %get3A = arith.index_cast %add3A_104 : i32 to index
      %get3A_105 = tpu.vector_load %arg9[%get3A] {strides = array<i32>} : memref<512xi32, #tpu.memory_space<vmem>>, vector<16xi32>,
      %gather3A = tpu.vector_load_idx %arg8[%get3A_105, %add3A_102] : memref<100x128xf32, #tpu.memory_space<vmem>>[vector<16xi32>, vector<16xi32>], vector<16xf32>,
      %get3A_106 = arith.constant 99 : i32
      %get3A_107 = arith.index_cast %get3A_106 : i32 to index
      %get3A_108 = arith.index_cast %mul3A_100 : i32 to index
      %get3A_109 = tpu.vector_load %arg8[%get3A_107, %get3A_108] {strides = array<i32>} : memref<100x128xf32, #tpu.memory_space<vmem>>, vector<16xf32>,
      %eq3A_110 = arith.constant 99 : i32
      %eq3A_111 = vector.broadcast %eq3A_110 : i32 to vector<16xi32>
      %eq3A_112 = arith.cmpi eq, %get3A_105, %eq3A_111 : vector<16xi32>
      %neg3A = arith.constant 0.000000e+00 : f32
      %neg3A_113 = vector.broadcast %neg3A : f32 to vector<16xf32>
      %neg3A_114 = arith.subf %neg3A_113, %gather3A : vector<16xf32>
      %neg3A_115 = arith.constant 0.000000e+00 : f32
      %neg3A_116 = vector.broadcast %neg3A_115 : f32 to vector<16xf32>
      %neg3A_117 = arith.subf %neg3A_116, %neg3A_114 : vector<16xf32>
      %exp3A = math.exp %neg3A_117 : vector<16xf32>
      %add3A_118 = arith.constant 1.000000e+00 : f32
      %add3A_119 = vector.broadcast %add3A_118 : f32 to vector<16xf32>
      %add3A_120 = arith.addf %add3A_119, %exp3A : vector<16xf32>
      %div3A = arith.constant 1.000000e+00 : f32
      %div3A_121 = vector.broadcast %div3A : f32 to vector<16xf32>
      %div3A_122 = arith.divf %div3A_121, %add3A_120 : vector<16xf32>
      %neg3A_123 = arith.constant 0.000000e+00 : f32
      %neg3A_124 = vector.broadcast %neg3A_123 : f32 to vector<16xf32>
      %neg3A_125 = arith.subf %neg3A_124, %get3A_109 : vector<16xf32>
      %exp3A_126 = math.exp %neg3A_125 : vector<16xf32>
      %add3A_127 = arith.constant 1.000000e+00 : f32
      %add3A_128 = vector.broadcast %add3A_127 : f32 to vector<16xf32>
      %add3A_129 = arith.addf %add3A_128, %exp3A_126 : vector<16xf32>
      %div3A_130 = arith.constant 1.000000e+00 : f32
      %div3A_131 = vector.broadcast %div3A_130 : f32 to vector<16xf32>
      %div3A_132 = arith.divf %div3A_131, %add3A_129 : vector<16xf32>
      %add3A_133 = arith.addf %div3A_122, %div3A_132 : vector<16xf32>
      %jit3A_134 = arith.constant 0.000000e+00 : f32
      %broadcast_in_dim3A_135 = vector.broadcast %jit3A_134 : f32 to vector<16xf32>
      %select_n3A_136 = arith.select %eq3A_112, %broadcast_in_dim3A_135, %add3A_133 : vector<16xi1>, vector<16xf32>
      %add3A_137 = arith.addf %scan3A_96, %select_n3A_136 : vector<16xf32>
      %jit3A_138 = arith.constant 1.000000e+00 : f32
      %jit3A_139 = arith.constant 0.000000e+00 : f32
      %broadcast_in_dim3A_140 = vector.broadcast %jit3A_138 : f32 to vector<16xf32>
      %broadcast_in_dim3A_141 = vector.broadcast %jit3A_139 : f32 to vector<16xf32>
      %select_n3A_142 = arith.select %eq3A_112, %broadcast_in_dim3A_140, %broadcast_in_dim3A_141 : vector<16xi1>, vector<16xf32>
      %add3A_143 = arith.addf %scan3A_98, %select_n3A_142 : vector<16xf32>
      %reduce_or3A = arith.constant 1.000000e+00 : f32
      %reduce_or3A_144 = arith.constant 0.000000e+00 : f32
      %reduce_or3A_145 = vector.broadcast %reduce_or3A : f32 to vector<16xf32>
      %reduce_or3A_146 = vector.broadcast %reduce_or3A_144 : f32 to vector<16xf32>
      %reduce_or3A_147 = arith.select %eq3A_112, %reduce_or3A_145, %reduce_or3A_146 : vector<16xi1>, vector<16xf32>
      %reduce_or3A_148 = arith.constant true
      %reduce_or3A_149 = vector.broadcast %reduce_or3A_148 : i1 to vector<16xi1>
      %reduce_or3A_150 = tpu.scan <max>, %reduce_or3A_147 masked %reduce_or3A_149 : vector<16xf32>, vector<16xi1> -> vector<16xf32>
      %reduce_or3A_151 = vector.extract %reduce_or3A_150[15] : f32 from vector<16xf32>
      %reduce_or3A_152 = arith.constant 0.000000e+00 : f32
      %reduce_or3A_153 = arith.cmpf ogt, %reduce_or3A_151, %reduce_or3A_152 : f32
      %convert_element_type3A = arith.extui %reduce_or3A_153 : i1 to i32
      %cond3A = arith.constant 0 : i32
      %cond3A_154 = arith.cmpi ne, %convert_element_type3A, %cond3A : i32
      %cond3A_155 = scf.if %cond3A_154 -> (vector<16xf32>) {
        %get3A_156 = arith.constant 0 : i32
        %get3A_157 = arith.index_cast %get3A_156 : i32 to index
        %get3A_158 = arith.index_cast %mul3A_100 : i32 to index
        %get3A_159 = tpu.vector_load %arg8[%get3A_157, %get3A_158] {strides = array<i32>} : memref<100x128xf32, #tpu.memory_space<vmem>>, vector<16xf32>,
        %scan3A_160 = arith.constant 0 : i32
        %scan3A_161 = arith.constant 14 : i32
        %scan3A_162 = arith.addi %scan3A_160, %scan3A_161 : i32
        %scan3A_163 = arith.constant 1 : i32
        %scan3A_164 = scf.for %scan3A_194 = %scan3A_160 to %scan3A_162 step %scan3A_163 iter_args(%scan3A_195 = %get3A_159) -> (vector<16xf32>)  : i32 {
          %mul3A_196 = arith.constant 7 : i32
          %mul3A_197 = arith.muli %mul3A_196, %scan3A_194 : i32
          %add3A_198 = arith.constant 1 : i32
          %add3A_199 = arith.addi %mul3A_197, %add3A_198 : i32
          %get3A_200 = arith.index_cast %add3A_199 : i32 to index
          %get3A_201 = arith.index_cast %mul3A_100 : i32 to index
          %get3A_202 = tpu.vector_load %arg8[%get3A_200, %get3A_201] {strides = array<i32>} : memref<100x128xf32, #tpu.memory_space<vmem>>, vector<16xf32>,
          %max3A = arith.maximumf %scan3A_195, %get3A_202 : vector<16xf32>
          %add3A_203 = arith.constant 2 : i32
          %add3A_204 = arith.addi %mul3A_197, %add3A_203 : i32
          %get3A_205 = arith.index_cast %add3A_204 : i32 to index
          %get3A_206 = arith.index_cast %mul3A_100 : i32 to index
          %get3A_207 = tpu.vector_load %arg8[%get3A_205, %get3A_206] {strides = array<i32>} : memref<100x128xf32, #tpu.memory_space<vmem>>, vector<16xf32>,
          %max3A_208 = arith.maximumf %max3A, %get3A_207 : vector<16xf32>
          %add3A_209 = arith.constant 3 : i32
          %add3A_210 = arith.addi %mul3A_197, %add3A_209 : i32
          %get3A_211 = arith.index_cast %add3A_210 : i32 to index
          %get3A_212 = arith.index_cast %mul3A_100 : i32 to index
          %get3A_213 = tpu.vector_load %arg8[%get3A_211, %get3A_212] {strides = array<i32>} : memref<100x128xf32, #tpu.memory_space<vmem>>, vector<16xf32>,
          %max3A_214 = arith.maximumf %max3A_208, %get3A_213 : vector<16xf32>
          %add3A_215 = arith.constant 4 : i32
          %add3A_216 = arith.addi %mul3A_197, %add3A_215 : i32
          %get3A_217 = arith.index_cast %add3A_216 : i32 to index
          %get3A_218 = arith.index_cast %mul3A_100 : i32 to index
          %get3A_219 = tpu.vector_load %arg8[%get3A_217, %get3A_218] {strides = array<i32>} : memref<100x128xf32, #tpu.memory_space<vmem>>, vector<16xf32>,
          %max3A_220 = arith.maximumf %max3A_214, %get3A_219 : vector<16xf32>
          %add3A_221 = arith.constant 5 : i32
          %add3A_222 = arith.addi %mul3A_197, %add3A_221 : i32
          %get3A_223 = arith.index_cast %add3A_222 : i32 to index
          %get3A_224 = arith.index_cast %mul3A_100 : i32 to index
          %get3A_225 = tpu.vector_load %arg8[%get3A_223, %get3A_224] {strides = array<i32>} : memref<100x128xf32, #tpu.memory_space<vmem>>, vector<16xf32>,
          %max3A_226 = arith.maximumf %max3A_220, %get3A_225 : vector<16xf32>
          %add3A_227 = arith.constant 6 : i32
          %add3A_228 = arith.addi %mul3A_197, %add3A_227 : i32
          %get3A_229 = arith.index_cast %add3A_228 : i32 to index
          %get3A_230 = arith.index_cast %mul3A_100 : i32 to index
          %get3A_231 = tpu.vector_load %arg8[%get3A_229, %get3A_230] {strides = array<i32>} : memref<100x128xf32, #tpu.memory_space<vmem>>, vector<16xf32>,
          %max3A_232 = arith.maximumf %max3A_226, %get3A_231 : vector<16xf32>
          %add3A_233 = arith.constant 7 : i32
          %add3A_234 = arith.addi %mul3A_197, %add3A_233 : i32
          %get3A_235 = arith.index_cast %add3A_234 : i32 to index
          %get3A_236 = arith.index_cast %mul3A_100 : i32 to index
          %get3A_237 = tpu.vector_load %arg8[%get3A_235, %get3A_236] {strides = array<i32>} : memref<100x128xf32, #tpu.memory_space<vmem>>, vector<16xf32>,
          %max3A_238 = arith.maximumf %max3A_232, %get3A_237 : vector<16xf32>
          scf.yield %max3A_238 : vector<16xf32>
        }
        %scan3A_165 = arith.constant 14 : i32
        %neg3A_166 = arith.constant 0.000000e+00 : f32
        %neg3A_167 = vector.broadcast %neg3A_166 : f32 to vector<16xf32>
        %neg3A_168 = arith.subf %neg3A_167, %scan3A_164 : vector<16xf32>
        %exp3A_169 = math.exp %neg3A_168 : vector<16xf32>
        %add3A_170 = arith.constant 1.000000e+00 : f32
        %add3A_171 = vector.broadcast %add3A_170 : f32 to vector<16xf32>
        %add3A_172 = arith.addf %add3A_171, %exp3A_169 : vector<16xf32>
        %div3A_173 = arith.constant 1.000000e+00 : f32
        %div3A_174 = vector.broadcast %div3A_173 : f32 to vector<16xf32>
        %div3A_175 = arith.divf %div3A_174, %add3A_172 : vector<16xf32>
        %neg3A_176 = arith.constant 0.000000e+00 : f32
        %neg3A_177 = vector.broadcast %neg3A_176 : f32 to vector<16xf32>
        %neg3A_178 = arith.subf %neg3A_177, %get3A_109 : vector<16xf32>
        %neg3A_179 = arith.constant 0.000000e+00 : f32
        %neg3A_180 = vector.broadcast %neg3A_179 : f32 to vector<16xf32>
        %neg3A_181 = arith.subf %neg3A_180, %neg3A_178 : vector<16xf32>
        %exp3A_182 = math.exp %neg3A_181 : vector<16xf32>
        %add3A_183 = arith.constant 1.000000e+00 : f32
        %add3A_184 = vector.broadcast %add3A_183 : f32 to vector<16xf32>
        %add3A_185 = arith.addf %add3A_184, %exp3A_182 : vector<16xf32>
        %div3A_186 = arith.constant 1.000000e+00 : f32
        %div3A_187 = vector.broadcast %div3A_186 : f32 to vector<16xf32>
        %div3A_188 = arith.divf %div3A_187, %add3A_185 : vector<16xf32>
        %add3A_189 = arith.addf %div3A_175, %div3A_188 : vector<16xf32>
        %jit3A_190 = arith.constant 0.000000e+00 : f32
        %broadcast_in_dim3A_191 = vector.broadcast %jit3A_190 : f32 to vector<16xf32>
        %select_n3A_192 = arith.select %eq3A_112, %add3A_189, %broadcast_in_dim3A_191 : vector<16xi1>, vector<16xf32>
        %add3A_193 = arith.addf %scan3A_97, %select_n3A_192 : vector<16xf32>
        scf.yield %add3A_193 : vector<16xf32>
      } else {
        scf.yield %scan3A_97 : vector<16xf32>
      }
      scf.yield %add3A_137, %cond3A_155, %add3A_143 : vector<16xf32>, vector<16xf32>, vector<16xf32>
    }
    %scan3A_68 = arith.constant 8 : i32
    %reduce_sum3A = arith.constant true
    %reduce_sum3A_69 = vector.broadcast %reduce_sum3A : i1 to vector<16xi1>
    %reduce_sum3A_70 = tpu.scan <sum>, %scan3A_67#0 masked %reduce_sum3A_69 : vector<16xf32>, vector<16xi1> -> vector<16xf32>
    %reduce_sum3A_71 = vector.extract %reduce_sum3A_70[15] : f32 from vector<16xf32>
    %reduce_sum3A_72 = arith.constant true
    %reduce_sum3A_73 = vector.broadcast %reduce_sum3A_72 : i1 to vector<16xi1>
    %reduce_sum3A_74 = tpu.scan <sum>, %scan3A_67#1 masked %reduce_sum3A_73 : vector<16xf32>, vector<16xi1> -> vector<16xf32>
    %reduce_sum3A_75 = vector.extract %reduce_sum3A_74[15] : f32 from vector<16xf32>
    %reduce_sum3A_76 = arith.constant true
    %reduce_sum3A_77 = vector.broadcast %reduce_sum3A_76 : i1 to vector<16xi1>
    %reduce_sum3A_78 = tpu.scan <sum>, %scan3A_67#2 masked %reduce_sum3A_77 : vector<16xf32>, vector<16xi1> -> vector<16xf32>
    %reduce_sum3A_79 = vector.extract %reduce_sum3A_78[15] : f32 from vector<16xf32>
    %eq3A = arith.constant 0 : i32
    %eq3A_80 = vector.broadcast %eq3A : i32 to vector<16xi32>
    %eq3A_81 = arith.cmpi eq, %iota3A, %eq3A_80 : vector<16xi32>
    %eq3A_82 = arith.constant 1 : i32
    %eq3A_83 = vector.broadcast %eq3A_82 : i32 to vector<16xi32>
    %eq3A_84 = arith.cmpi eq, %iota3A, %eq3A_83 : vector<16xi32>
    %eq3A_85 = arith.constant 2 : i32
    %eq3A_86 = vector.broadcast %eq3A_85 : i32 to vector<16xi32>
    %eq3A_87 = arith.cmpi eq, %iota3A, %eq3A_86 : vector<16xi32>
    %jit3A = arith.constant 0.000000e+00 : f32
    %broadcast_in_dim3A_88 = vector.broadcast %reduce_sum3A_79 : f32 to vector<16xf32>
    %broadcast_in_dim3A_89 = vector.broadcast %jit3A : f32 to vector<16xf32>
    %select_n3A = arith.select %eq3A_87, %broadcast_in_dim3A_88, %broadcast_in_dim3A_89 : vector<16xi1>, vector<16xf32>
    %broadcast_in_dim3A_90 = vector.broadcast %reduce_sum3A_75 : f32 to vector<16xf32>
    %select_n3A_91 = arith.select %eq3A_84, %broadcast_in_dim3A_90, %select_n3A : vector<16xi1>, vector<16xf32>
    %broadcast_in_dim3A_92 = vector.broadcast %reduce_sum3A_71 : f32 to vector<16xf32>
    %select_n3A_93 = arith.select %eq3A_81, %broadcast_in_dim3A_92, %select_n3A_91 : vector<16xi1>, vector<16xf32>
    %swap3A = arith.constant 0 : index
    %swap3A_94 = tpu.vector_load %arg10[%swap3A] {strides = array<i32>} : memref<16xf32, #tpu.memory_space<vmem>>, vector<16xf32>,
    tpu.vector_store %arg10[%swap3A], %select_n3A_93 {strides = array<i32>} : memref<16xf32, #tpu.memory_space<vmem>>, vector<16xf32>,
    "tpu.region"() ({
      %run_scoped3A = tpu.sem_alloc : memref<!tpu.dma_semaphore, #tpu.memory_space<semaphore_mem>>
      %dma_start3A_95 = arith.constant 0 : i32
      %dma_start3A_96 = tpu.memref_slice %arg4[%add3A, %dma_start3A_95] : memref<32x16xf32, #tpu.memory_space<hbm>> -> memref<1x16xf32, #tpu.memory_space<hbm>>
      %dma_start3A_97 = tpu.memref_squeeze %dma_start3A_96 : memref<1x16xf32, #tpu.memory_space<hbm>> -> memref<16xf32, #tpu.memory_space<hbm>>
      %dma_start3A_98 = arith.constant 0 : i32
      %dma_start3A_99 = tpu.memref_slice %arg4[%add3A, %dma_start3A_98] : memref<32x16xf32, #tpu.memory_space<hbm>> -> memref<1x16xf32, #tpu.memory_space<hbm>>
      %dma_start3A_100 = tpu.memref_squeeze %dma_start3A_99 : memref<1x16xf32, #tpu.memory_space<hbm>> -> memref<16xf32, #tpu.memory_space<hbm>>
      tpu.enqueue_dma source(%arg10 : memref<16xf32, #tpu.memory_space<vmem>>) target(%dma_start3A_100 : memref<16xf32, #tpu.memory_space<hbm>>) target_semaphore(%run_scoped3A : memref<!tpu.dma_semaphore, #tpu.memory_space<semaphore_mem>>)
      %dma_wait3A_101 = arith.constant 0 : i32
      %dma_wait3A_102 = tpu.memref_slice %arg4[%add3A, %dma_wait3A_101] : memref<32x16xf32, #tpu.memory_space<hbm>> -> memref<1x16xf32, #tpu.memory_space<hbm>>
      %dma_wait3A_103 = tpu.memref_squeeze %dma_wait3A_102 : memref<1x16xf32, #tpu.memory_space<hbm>> -> memref<16xf32, #tpu.memory_space<hbm>>
      %dma_wait3A_104 = arith.constant 0 : i32
      %dma_wait3A_105 = tpu.memref_slice %arg4[%add3A, %dma_wait3A_104] : memref<32x16xf32, #tpu.memory_space<hbm>> -> memref<1x16xf32, #tpu.memory_space<hbm>>
      %dma_wait3A_106 = tpu.memref_squeeze %dma_wait3A_105 : memref<1x16xf32, #tpu.memory_space<hbm>> -> memref<16xf32, #tpu.memory_space<hbm>>
      tpu.wait_dma2 semaphore(%run_scoped3A : memref<!tpu.dma_semaphore, #tpu.memory_space<semaphore_mem>>) src(%arg10 : memref<16xf32, #tpu.memory_space<vmem>>) dst(%dma_wait3A_106 : memref<16xf32, #tpu.memory_space<hbm>>)
      tpu.yield
    }) : () -> ()
    return
  }
}

module attributes {stable_mosaic.version = 14 : i64} {
  func.func @_combine_body(%arg0: memref<32x16xf32, #tpu.memory_space<vmem>>, %arg1: memref<1x1xf32, #tpu.memory_space<smem>>) attributes {dimension_semantics = [], scalar_prefetch = 0 : i64, scratch_operands = 0 : i64, tpu.core_type = #tpu.core_type<tc>} {
    %get3A = arith.constant 0 : index
    %get3A_0 = arith.constant 0 : index
    %get3A_1 = vector.load %arg0[%get3A, %get3A_0] : memref<32x16xf32, #tpu.memory_space<vmem>>, vector<32x16xf32>
    %iota3A = tpu.iota {dimensions = array<i32: 1>} : vector<32x16xi32>
    %eq3A = arith.constant 0 : i32
    %eq3A_2 = vector.broadcast %eq3A : i32 to vector<32x16xi32>
    %eq3A_3 = arith.cmpi eq, %iota3A, %eq3A_2 : vector<32x16xi32>
    %jit3A = arith.constant 0.000000e+00 : f32
    %broadcast_in_dim3A = vector.broadcast %jit3A : f32 to vector<32x16xf32>
    %select_n3A = arith.select %eq3A_3, %get3A_1, %broadcast_in_dim3A : vector<32x16xi1>, vector<32x16xf32>
    %reduce_sum3A = vector.shape_cast %select_n3A : vector<32x16xf32> to vector<1x32x16xf32>
    %reduce_sum3A_4 = arith.constant dense<0.000000e+00> : vector<1xf32>
    %reduce_sum3A_5 = vector.multi_reduction <add>, %reduce_sum3A, %reduce_sum3A_4 [1, 2] : vector<1x32x16xf32> to vector<1xf32>
    %reduce_sum3A_6 = vector.shape_cast %reduce_sum3A_5 : vector<1xf32> to vector<1x1x1xf32>
    %reduce_sum3A_7 = vector.extract %reduce_sum3A_6[0, 0, 0] : f32 from vector<1x1x1xf32>
    %eq3A_8 = arith.constant 1 : i32
    %eq3A_9 = vector.broadcast %eq3A_8 : i32 to vector<32x16xi32>
    %eq3A_10 = arith.cmpi eq, %iota3A, %eq3A_9 : vector<32x16xi32>
    %jit3A_11 = arith.constant 0.000000e+00 : f32
    %broadcast_in_dim3A_12 = vector.broadcast %jit3A_11 : f32 to vector<32x16xf32>
    %select_n3A_13 = arith.select %eq3A_10, %get3A_1, %broadcast_in_dim3A_12 : vector<32x16xi1>, vector<32x16xf32>
    %reduce_sum3A_14 = vector.shape_cast %select_n3A_13 : vector<32x16xf32> to vector<1x32x16xf32>
    %reduce_sum3A_15 = arith.constant dense<0.000000e+00> : vector<1xf32>
    %reduce_sum3A_16 = vector.multi_reduction <add>, %reduce_sum3A_14, %reduce_sum3A_15 [1, 2] : vector<1x32x16xf32> to vector<1xf32>
    %reduce_sum3A_17 = vector.shape_cast %reduce_sum3A_16 : vector<1xf32> to vector<1x1x1xf32>
    %reduce_sum3A_18 = vector.extract %reduce_sum3A_17[0, 0, 0] : f32 from vector<1x1x1xf32>
    %eq3A_19 = arith.constant 2 : i32
    %eq3A_20 = vector.broadcast %eq3A_19 : i32 to vector<32x16xi32>
    %eq3A_21 = arith.cmpi eq, %iota3A, %eq3A_20 : vector<32x16xi32>
    %jit3A_22 = arith.constant 0.000000e+00 : f32
    %broadcast_in_dim3A_23 = vector.broadcast %jit3A_22 : f32 to vector<32x16xf32>
    %select_n3A_24 = arith.select %eq3A_21, %get3A_1, %broadcast_in_dim3A_23 : vector<32x16xi1>, vector<32x16xf32>
    %reduce_sum3A_25 = vector.shape_cast %select_n3A_24 : vector<32x16xf32> to vector<1x32x16xf32>
    %reduce_sum3A_26 = arith.constant dense<0.000000e+00> : vector<1xf32>
    %reduce_sum3A_27 = vector.multi_reduction <add>, %reduce_sum3A_25, %reduce_sum3A_26 [1, 2] : vector<1x32x16xf32> to vector<1xf32>
    %reduce_sum3A_28 = vector.shape_cast %reduce_sum3A_27 : vector<1xf32> to vector<1x1x1xf32>
    %reduce_sum3A_29 = vector.extract %reduce_sum3A_28[0, 0, 0] : f32 from vector<1x1x1xf32>
    %max3A = arith.constant 1.000000e+00 : f32
    %max3A_30 = arith.maximumf %reduce_sum3A_29, %max3A : f32
    %div3A = arith.divf %reduce_sum3A_18, %max3A_30 : f32
    %sub3A = arith.constant 9.900000e-01 : f32
    %sub3A_31 = arith.subf %div3A, %sub3A : f32
    %abs3A = math.absf %sub3A_31 : f32
    %div3A_32 = arith.constant 1.638400e+04 : f32
    %div3A_33 = arith.divf %reduce_sum3A_7, %div3A_32 : f32
    %div3A_34 = arith.constant 1.638400e+04 : f32
    %div3A_35 = arith.divf %reduce_sum3A_29, %div3A_34 : f32
    %mul3A = arith.mulf %div3A_35, %abs3A : f32
    %add3A = arith.addf %div3A_33, %mul3A : f32
    %swap3A = arith.constant 0 : index
    %swap3A_36 = arith.constant 0 : index
    %swap3A_37 = memref.load %arg1[%swap3A, %swap3A_36] : memref<1x1xf32, #tpu.memory_space<smem>>
    memref.store %add3A, %arg1[%swap3A, %swap3A_36] : memref<1x1xf32, #tpu.memory_space<smem>>
    return
  }
}

</mosaic_0001>

<sc_bundles>
// kernel: kernel.4.cloned.1.call-start
scs
__scs_entry_jumppad:
0x0: {  	(pc) =	sbr.rel $0x88, $3  }
0x1: {  	(tag) =	ssettag $0x0;
	lr =	simm.s32 $0x1  }
0x2: {  	[smem:$0x3F9F] =	sst lr;
	_ =	strace $0xD0000000  }
0x3: {  	_ = 	snop  }
0x4: {  	_ = 	snop  }
0x5: {  	_ = 	snop  }
0x6: {  	_ = 	snop  }
0x7: {  	_ = 	snop  }
__scs_overlays_trampoline_lowered:
0x8: {  	[smem:$0x3FAE] =	sst s0  }
0x9: {  	[smem:$0x3FAF] =	sst s1  }
0xa: {  	[smem:$0x3FB0] =	sst s2  }
0xb: {  	[smem:$0x3FB1] =	sst s3  }
0xc: {  	[smem:$0x3FB2] =	sst s4  }
0xd: {  	[smem:$0x3FB3] =	sst s5  }
0xe: {  	[smem:$0x3FB4] =	sst s6  }
0xf: {  	[smem:$0x3FB5] =	sst s7  }
0x10: {  	[smem:$0x3FB6] =	sst s8  }
0x11: {  	[smem:$0x3FB7] =	sst s9;
	s0 =	simm.s32 @!p0 $0x0  }
0x12: {  	s1 =	sld [smem:$0x3F9D];
	s0 =	simm.s32 @p0 $0x1  }
0x13: {  	[smem:$0x3FB8] =	sst s0;
	s0 =	simm.s32 @!p1 $0x0  }
0x14: {  	s2 =	sld [smem:$0x3F9C];
	s0 =	simm.s32 @p1 $0x1  }
0x15: {  	[smem:$0x3FB9] =	sst s0;
	s0 =	simm.s32 @!p2 $0x0  }
0x16: {  	s3 =	sld [smem:$0x3FDB];
	s0 =	simm.s32 @p2 $0x1  }
0x17: {  	s4 =	simm.s32 $0x1BF5;
	[smem:$0x3FBB] =	sst s0  }
0x18: {  	s0 =	sld [smem:$0x3F9E];
	_ =	swait.ge [sflag:s4], $0x0  }
0x19: {  	s7 =	sld [smem:$0x3F9F]  }
0x1a: {  	s8 =	sadd.s32 $0xFFFFE003, lr  }
0x1b: {  	s9 =	sadd.s32 $0xFFFFFEF7, lr;
	s5 =	simm.s32 $0xFFFFFFFF;
	p2 =	slt.u32 s8, $0xFFFFF086  }
0x1c: {  	p1 =	slt.u32 s9, $0xF7A;
	s5 =	simm.s32 @!p2 $0x0  }
0x1d: {  	s5 =	simm.s32 @p1 $0x1;
	p0 =	seq.s32 s7, s2  }
0x1e: {  	s7 =	smul.u32 @!p0 $0xF7A, s2;
	p2 =	seq.s32 @!p0 s5, $0x0  }
0x1f: {  	s9 =	smul.u32 $0xF7A, s1;
	s8 =	simm.s32 @!p0 $0x1BF5;
	p2 =	por !p2, p0  }
0x20: {  	[sflag:s8] =	ssyncset.s32 @!p0 $0xFFFFF086;
	s6 =	sadd.s32 @!p0 s3, s7;
	s7 =	simm.s32 @!p0 $0x108  }
0x21: {  	s3 =	sadd.s32 s3, s9;
	s6 =	sadd.s32 @!p0 $0x88, s6;
	s7 =	simm.s32 @p2 $0x1082  }
0x22: {  	[simem:s7], [sflag:s8] =	dma.local @!p0 [hbm:s6], $0xF7A  }
0x23: {  	s9 =	sor.u32 $0xD0000000, s2;
	s6 =	simm.s32 $0x108;
	_ =	swait.ge @!p0 [sflag:s8], $0x0  }
0x24: {  	s3 =	sadd.s32 $0x88, s3;
	s6 =	simm.s32 @!p1 $0x1082;
	[sflag:s4] =	ssyncset.s32 $0xFFFFF086  }
0x25: {  	[simem:s6], [sflag:s4] =	dma.local [hbm:s3], $0xF7A  }
0x26: {  	[smem:$0x3F9F] =	sst s1;
	(tag) =	ssettag s2;
	_ =	strace s9  }
0x27: {  	s1 =	sld [smem:$0x3FAF]  }
0x28: {  	s2 =	sld [smem:$0x3FB0]  }
0x29: {  	s4 =	sld [smem:$0x3FB2]  }
0x2a: {  	p0 =	seq.s32 s5, $0x0;
	s5 =	sld [smem:$0x3FB3]  }
0x2b: {  	s6 =	sld [smem:$0x3FB4]  }
0x2c: {  	s7 =	sld [smem:$0x3FB5]  }
0x2d: {  	s3 =	simm.s32 $0x108;
	s8 =	sld [smem:$0x3FB6]  }
0x2e: {  	s3 =	simm.s32 @!p0 $0x1082;
	s9 =	sld [smem:$0x3FB7]  }
0x2f: {  	lr =	sadd.s32 s0, s3;
	s0 =	sld [smem:$0x3FAE]  }
0x30: {  	s3 =	sld [smem:$0x3FB1]  }
0x31: {  	[smem:$0x3FBA] =	sst s10  }
0x32: {  	s10 =	sld [smem:$0x3FB8];
	_ =	sdelay $0x3  }
0x33: {  	p0 =	seq.s32 s10, $0x1;
	s10 =	sld [smem:$0x3FBA];
	_ =	sdelay $0x3  }
0x34: {  	[smem:$0x3FBA] =	sst s10  }
0x35: {  	s10 =	sld [smem:$0x3FB9];
	_ =	sdelay $0x3  }
0x36: {  	p1 =	seq.s32 s10, $0x1;
	s10 =	sld [smem:$0x3FBA];
	_ =	sdelay $0x3  }
0x37: {  	[smem:$0x3FBA] =	sst s10  }
0x38: {  	s10 =	sld [smem:$0x3FBB]  }
0x39: {  	_ = 	snop;
	(pc) =	sbr.ind lr, $3  }
0x3a: {  	_ = 	snop  }
0x3b: {  	_ = 	snop  }
0x3c: {  	p2 =	seq.s32 s10, $0x1;
	s10 =	sld [smem:$0x3FBA]  }
0x3d: {  	_ =	shalt  }
0x3e: {  	_ =	shalt  }
0x3f: {  	_ =	shalt  }
0x40: {  	_ =	shalt  }
0x41: {  	_ =	shalt  }
0x42: {  	_ =	shalt  }
0x43: {  	_ =	shalt  }
0x44: {  	_ =	shalt  }
0x45: {  	_ =	shalt  }
0x46: {  	_ =	shalt  }
0x47: {  	_ =	shalt  }
0x48: {  	_ =	shalt  }
0x49: {  	_ =	shalt  }
0x4a: {  	_ =	shalt  }
0x4b: {  	_ =	shalt  }
0x4c: {  	_ =	shalt  }
0x4d: {  	_ =	shalt  }
0x4e: {  	_ =	shalt  }
0x4f: {  	_ =	shalt  }
0x50: {  	_ =	shalt  }
0x51: {  	_ =	shalt  }
0x52: {  	_ =	shalt  }
0x53: {  	_ =	shalt  }
0x54: {  	_ =	shalt  }
0x55: {  	_ =	shalt  }
0x56: {  	_ =	shalt  }
0x57: {  	_ =	shalt  }
0x58: {  	_ =	shalt  }
0x59: {  	_ =	shalt  }
0x5a: {  	_ =	shalt  }
0x5b: {  	_ =	shalt  }
0x5c: {  	_ =	shalt  }
0x5d: {  	_ =	shalt  }
0x5e: {  	_ =	shalt  }
0x5f: {  	_ =	shalt  }
0x60: {  	_ =	shalt  }
0x61: {  	_ =	shalt  }
0x62: {  	_ =	shalt  }
0x63: {  	_ =	shalt  }
0x64: {  	_ =	shalt  }
0x65: {  	_ =	shalt  }
0x66: {  	_ =	shalt  }
0x67: {  	_ =	shalt  }
0x68: {  	_ =	shalt  }
0x69: {  	_ =	shalt  }
0x6a: {  	_ =	shalt  }
0x6b: {  	_ =	shalt  }
0x6c: {  	_ =	shalt  }
0x6d: {  	_ =	shalt  }
0x6e: {  	_ =	shalt  }
0x6f: {  	_ =	shalt  }
0x70: {  	_ =	shalt  }
0x71: {  	_ =	shalt  }
0x72: {  	_ =	shalt  }
0x73: {  	_ =	shalt  }
0x74: {  	_ =	shalt  }
0x75: {  	_ =	shalt  }
0x76: {  	_ =	shalt  }
0x77: {  	_ =	shalt  }
0x78: {  	_ =	shalt  }
0x79: {  	_ =	shalt  }
0x7a: {  	_ =	shalt  }
0x7b: {  	_ =	shalt  }
0x7c: {  	_ =	shalt  }
0x7d: {  	_ =	shalt  }
0x7e: {  	_ =	shalt  }
0x7f: {  	_ =	shalt  }
0x80: {  	_ =	shalt  }
0x81: {  	_ =	shalt  }
0x82: {  	_ =	shalt  }
0x83: {  	_ =	shalt  }
0x84: {  	_ =	shalt  }
0x85: {  	_ =	shalt  }
0x86: {  	_ =	shalt  }
0x87: {  	_ =	shalt  }
.Lfunc_end0:
.L_simem_size_0:
called_computation_lowered:
.L_overlay_start_0:
0x88: {  	s2 =	sld [smem:$0x3FD9]  }
0x89: {  	s3 =	sld [smem:$0x3FFE];
	_ =	sdelay $0x1  }
0x8a: {  	s1 =	srdreg.scid  }
0x8b: {  	s0 =	sand.u32 $0x1, s1  }
0x8c: {  	s17 =	sshll.u32 s0, $0xA;
	s2 =	sadd.s32 s3, s2  }
0x8d: {  	s2 =	sadd.s32 s2, s17  }
0x8e: {  	[smem:$0x3FC6] =	sst s2  }
0x8f: {  	_ = 	snop  }
0x90: {  	s2 =	sld [smem:$0x3FC9]  }
0x91: {  	s18 =	sld [smem:$0x3FC8];
	(tm) =	ssettm $0x1  }
0x92: {  	s4 =	sld [smem:$0x3FFB];
	_ =	sdelay $0x3  }
0x93: {  	_ =	strace s4  }
0x94: {  	s4 =	sld [smem:$0x3FFC];
	_ =	sdelay $0x3  }
0x95: {  	_ =	strace s4  }
0x96: {  	s4 =	sld [smem:$0x3FFD];
	_ =	sdelay $0x3  }
0x97: {  	_ =	strace s4  }
0x98: {  	_ =	strace $0x8FFFFFFF  }
0x99: {  	s19 =	sld [smem:$0x3FDB];
	_ =	sdelay $0x1  }
0x9a: {  	s5 =	simm.s32 $_scs_section_size  }
0x9b: {  	s6 =	simm.s32 $_size__tile_overlayer_lowered;
	s7 =	simm.s32 $_tile_overlayer_lowered  }
0x9c: {  	s22 =	simm.s32 $0x1BFF;
	s21 =	sshll.u32 s7, $0x1;
	s4 =	sadd.s32 s5, s19  }
0x9d: {  	s8 =	simm.s32 $0x0;
	s20 =	sshll.u32 s6, $0x1;
	s6 =	sadd.s32 s21, s4  }
0x9e: {  	[timem:s8], [sflag:s22] =	dma.local [hbm:s6], s20  }
0x9f: {  	_ =	swait.ge [sflag:s22], s20  }
0xa0: {  	s5 =	ssub.s32 $0x0, s20;
	[sflag:s22] =	ssyncset.done $0x0  }
0xa1: {  	[sflag:s22] =	ssyncadd.s32 s5;
	_ =	sdelay $0x1  }
0xa2: {  	s23 =	simm.s32 $0x1B8B  }
0xa3: {  	_ =	swait.ge [sflag:s23], $0x1  }
0xa4: {  	[sflag:s23] =	ssyncset.done $0x0  }
0xa5: {  	s25 =	simm.s32 $0x1B8E;
	s24 =	sld [smem:$0x3FFE];
	[sflag:s23] =	ssyncadd.s32 $0xFFFFFFFF  }
0xa6: {  	s26 =	simm.s32 $execute0_lowered;
	[smem:$0x3FD2] =	sst s25  }
0xa7: {  	s6 =	sshll.u32 s26, $0x1;
	_ =	strace $0x80000046;
	[dreg:$0x1] =	wrdreg $0xFFFFFFFF  }
0xa8: {  	s28 =	simm.s32 $_size_execute0_lowered;
	s4 =	sadd.s32 s4, s6;
	[dreg:$0x0] =	wrdreg $0x0  }
0xa9: {  	s6 =	sshll.u32 s28, $0x1;
	[dreg:$0x2] =	wrdreg s4  }
0xaa: {  	[dreg:$0x3] =	wrdreg s6  }
0xab: {  	[dreg:$0x4] =	wrdreg $0xC0  }
0xac: {  	_ =	task [dreg:s8], $0x5FFFF  }
0xad: {  	[dreg:$0x1] =	wrdreg $0xFFFFFFFF  }
0xae: {  	[dreg:$0x0] =	wrdreg $0x60  }
0xaf: {  	[dreg:$0x2] =	wrdreg s2  }
0xb0: {  	[dreg:$0x3] =	wrdreg s18  }
0xb1: {  	[dreg:$0x4] =	wrdreg s24  }
0xb2: {  	[dreg:$0x5] =	wrdreg $0x9  }
0xb3: {  	_ =	task.clear_ibuf [dreg:s8], $0x6FFFF;
	_ =	strace $0x90000046  }
0xb4: {  	s29 =	simm.s32 $0x9;
	_ =	strace $0x80000048  }
0xb5: {  	_ =	swait.ge [sflag:s29], $0x1  }
0xb6: {  	[sflag:s29] =	ssyncadd.s32 $0xFFFFFFFF  }
0xb7: {  	_ =	strace $0x90000048  }
0xb8: {  	_ =	sfence  }
0xb9: {  	s30 =	sld [smem:$0x0];
	_ =	sdelay $0x2  }
0xba: {  	s31 =	sshll.u32 s1, $0xD;
	s1 =	sshrl.u32 s1, $0x2  }
0xbb: {  	s3 =	sand.u32 $0x4000, s31;
	s1 =	sadd.s32 s1, s30  }
0xbc: {  	s0 =	sor.u32 s3, s0;
	s1 =	sshll.u32 s1, $0x11  }
0xbd: {  	s0 =	sor.u32 s1, s0  }
0xbe: {  	s0 =	sadd.s32 $0x8F2B, s0  }
0xbf: {  	[sflag:s0] =	ssyncadd.remote.s32 $0x1  }
0xc0: {  	_ =	sfence.sel $0xFFFF  }
0xc1: {  	[dreg:$0x0] =	wrdreg $0xFFFFFFFF;
	(pc) =	sbr.abs _section_cstart, $3  }
0xc2: {  	[dreg:$0x1] =	wrdreg $0xFFFFFFFF  }
0xc3: {  	_ =	task.clear_ibuf [dreg:s8], $0x2FFFF;
	_ =	strace $0x9FFFFFFF  }
0xc4: {  	(tm) =	ssettm $0x7FFFFFFF  }
0xc5: {  	_ =	shalt  }
tec
execute0_lowered:
.L_overlay_start_1:
0x0: {  	(tag) =	ssettag $0x1  }
0x1: {  	s0 =	rddreg [dreg:$0x0]  }
0x2: {  	s1 =	rddreg [dreg:$0x1];
	s2 =	srdreg.scid  }
0x3: {  	s5 =	stileid.u32;
	s3 =	rddreg [dreg:$0x2]  }
0x4: {  	s15 =	simm.s32 $0x400;
	s16 =	simm.s32 $0x20000;
	s18 =	simm.s32 $0x3400  }
0x5: {  	s20 =	simm.s32 $0x6800;
	s22 =	simm.s32 $0x9C00;
	s23 =	simm.s32 $0xCC00  }
0x6: {  	s24 =	simm.s32 $0x5;
	s28 =	simm.s32 $0x3;
	s29 =	simm.s32 $0x4  }
0x7: {  	s30 =	simm.s32 $0xD200;
	s4 =	sand.u32 $0x1, s2;
	s5 =	sshll.u32 s5, $0x1  }
0x8: {  	s31 =	simm.s32 $0x6;
	s2 =	simm.s32 $0x0;
	s5 =	sor.u32 s4, s5  }
0x9: {  	[smem:$0x7FF] =	sst s2;
	s25 =	ssub.s32 $0x2, s4;
	s6 =	sshll.u32 s5, $0x4  }
0xa: {  	_ =	strace $0x80000047;
	s4 =	sshrl.u32 s25, $0x1;
	s26 =	sshll.u32 s5, $0x6  }
0xb: {  	s5 =	sshll.u32 s5, $0x9;
	s12 =	sadd.s32 s6, s3;
	s13 =	ssub.s32 s25, s4  }
.Ltmp0:
0xc: {  	s3 =	sadd.s32 s1, s26;
	s4 =	sadd.s32 s0, s5;
	(pc) =	sbr.rel .LBB2_1-.Ltmp0, $4  }
0xd: {  	s25 =	simm.s32 $0x1;
	s26 =	simm.s32 $0x2;
	s1 =	simm.s32 $0x0  }
0xe: {  	s5 =	sadd.s32 $0x30000, s4;
	s6 =	sadd.s32 $0x80, s4;
	s7 =	sadd.s32 $0x30080, s4  }
0xf: {  	v0 =	vlaneseq.u32;
	v1 =	vimm.f32 $0.0e+00;
	s8 =	sadd.s32 $0x100, s4;
	s9 =	sadd.s32 $0x30100, s4;
	s10 =	sadd.s32 $0x180, s4  }
0x10: {  	vm0 =	vcmask $0xB08;
	vm1 =	vcmask $0x3F08;
	vm2 =	vcmask $0x3F04;
	s11 =	sadd.s32 $0x30180, s4;
	s12 =	sadd.s32 $0x600, s12;
	s13 =	smax.u32 s13, $0x1  }
.LBB2_25:
0x11: {  	(xrf2) =	vadd.scan.msk.f32 $0xffff, v4  }
0x12: {  	(xrf2) =	vadd.scan.msk.f32 $0xffff, v3  }
0x13: {  	(xrf2) =	vadd.scan.msk.f32 $0xffff, v2;
	_ =	sdelay $0x7  }
0x14: {  	v2, _, _ =	vpop (xrf2)  }
0x15: {  	v3, _, _ =	vpop (xrf2)  }
0x16: {  	v63, _, _ =	vpop (xrf2)  }
0x17: {  	v4 =	vbroadcast v63, $0xF  }
0x18: {  	v3 =	vbroadcast v3, $0xF  }
0x19: {  	v2 =	vbroadcast v2, $0xF;
	v4 =	vnsel vm0, $0x0, v4  }
0x1a: {  	s1 =	sadd.s32 $0x1, s1;
	v3 =	vsel vm1, v4, v3  }
0x1b: {  	p0 =	sne.s32 s1, s13;
	v2 =	vsel vm2, v3, v2  }
.Ltmp1:
0x1c: {  	[tilespmem:$0xD200] =	vst v2;
	(pc) =	sbr.rel @!p0 .LBB2_26-.Ltmp1, $4  }
0x1d: {  	[hbm4b:s12+s2] =	stream.linear.scatter [tilespmem:s30], [sflag:$0x6], $0x80, $0x38;
	[tilespmem:$0xD280] =	vst v63  }
0x1e: {  	_ =	swait.ge [sflag:s31], $0x80  }
0x1f: {  	[sflag:s31] =	ssyncset.done $0x0  }
0x20: {  	[sflag:s31] =	ssyncadd.s32 $0xFFFFFF80  }
.LBB2_1:
0x21: {  	s0 =	simm.s32 $0xD000  }
0x22: {  	[tilespmem:s0], [sflag:$0x5] =	stream.linear.gather [hbm4b:s3+s2], $0x200, $0x38;
	[tilespmem:$0xD280] =	vst v63  }
0x23: {  	_ = 	snop  }
0x24: {  	[tilespmem:s2], [sflag:$0x1] =	stream.strided.gather [hbm4b:s4+s15], $0x3000, s16, s15, $0x38;
	[tilespmem:$0xD280] =	vst v63  }
0x25: {  	s17 =	simm.s32 $0x3000  }
0x26: {  	[tilespmem:s17], [sflag:$0x1] =	stream.linear.gather [hbm4b:s5+s2], $0x200, $0x38;
	[tilespmem:$0xD280] =	vst v63  }
0x27: {  	_ = 	snop  }
0x28: {  	[tilespmem:s18], [sflag:$0x2] =	stream.strided.gather [hbm4b:s6+s15], $0x3000, s16, s15, $0x38;
	[tilespmem:$0xD280] =	vst v63  }
0x29: {  	s19 =	simm.s32 $0x6400  }
0x2a: {  	[tilespmem:s19], [sflag:$0x2] =	stream.linear.gather [hbm4b:s7+s2], $0x200, $0x38;
	[tilespmem:$0xD280] =	vst v63  }
0x2b: {  	_ = 	snop  }
0x2c: {  	[tilespmem:s20], [sflag:$0x3] =	stream.strided.gather [hbm4b:s8+s15], $0x3000, s16, s15, $0x38;
	[tilespmem:$0xD280] =	vst v63  }
0x2d: {  	s21 =	simm.s32 $0x9800  }
0x2e: {  	[tilespmem:s21], [sflag:$0x3] =	stream.linear.gather [hbm4b:s9+s2], $0x200, $0x38;
	[tilespmem:$0xD280] =	vst v63  }
0x2f: {  	_ = 	snop  }
0x30: {  	[tilespmem:s22], [sflag:$0x4] =	stream.strided.gather [hbm4b:s10+s15], $0x3000, s16, s15, $0x38;
	[tilespmem:$0xD280] =	vst v63  }
0x31: {  	_ = 	snop  }
0x32: {  	[tilespmem:s23], [sflag:$0x4] =	stream.linear.gather [hbm4b:s11+s2], $0x200, $0x38;
	[tilespmem:$0xD280] =	vst v63  }
0x33: {  	_ =	swait.ge [sflag:s24], $0x200  }
.Ltmp2:
0x34: {  	[sflag:s24] =	ssyncset.done $0x0;
	(pc) =	sbr.rel .LBB2_2-.Ltmp2, $4  }
0x35: {  	[sflag:s24] =	ssyncadd.s32 $0xFFFFFE00  }
0x36: {  	_ =	swait.ge [sflag:s25], $0x3200  }
0x37: {  	[sflag:s25] =	ssyncset.done $0x0  }
0x38: {  	v2 =	vimm.f32 $0.0e+00;
	v3 =	vimm.f32 $0.0e+00;
	v4 =	vimm.f32 $0.0e+00;
	s14 =	simm.s32 $0x0;
	s0 =	simm.s32 $0x200;
	[sflag:s25] =	ssyncadd.s32 $0xFFFFCE00  }
.LBB2_6:
0x39: {  	s14 =	sadd.s32 $0x1, s14  }
0x3a: {  	p0 =	sne.s32 s14, $0x8  }
.Ltmp3:
0x3b: {  	_ = 	snop;
	(pc) =	sbr.rel @!p0 .LBB2_7-.Ltmp3, $3  }
0x3c: {  	v6 =	vadd.f32 v7, v6;
	_ =	sdelay $0x1  }
0x3d: {  	v6 =	vsel vm3, $0x0, v6  }
0x3e: {  	s0 =	sadd.s32 $0x10, s0;
	v2 =	vadd.f32 v5, v2;
	v4 =	vadd.f32 v6, v4  }
.LBB2_2:
0x3f: {  	s17 =	sshll.u32 s14, $0x4  }
0x40: {  	v5 =	vld [tilespmem:s17+$0xD000];
	_ =	sdelay $0x4  }
0x41: {  	v6 =	vshll.u32 v5, $0x7  }
0x42: {  	v6 =	vadd.s32 s17, v6  }
0x43: {  	v6 =	vor.u32 v0, v6;
	_ =	sdelay $0x4  }
0x44: {  	v6 =	vld.idx.msk [tilespmem:v6+s2+$0x0], $0xffff;
	_ =	sdelay $0x4  }
0x45: {  	v6 =	vadd.f32 $0.0e+00, v6;
	_ =	sdelay $0x1  }
0x46: {  	v6 =	vmul.f32 $1.442695020e+00, v6;
	_ =	sdelay $0x1  }
0x47: {  	(erf) = vpow2.f32 v6;
	_ =	sdelay $0x4  }
0x48: {  	v6 =	vld [tilespmem:s17+$0x3180]  }
0x49: {  	vm3 =	veq.s32 v5, $0x63  }
0x4a: {  	v5 =	vsel vm3, $0x3F800000, v1  }
0x4b: {  	(xrf0) =	vmax.scan.msk.f32 $0xffff, v5  }
0x4c: {  	v7 =	vpop (erf)  }
0x4d: {  	v8 =	vsub.f32 $0.0e+00, v6;
	v6 =	vadd.f32 $1.000000000e+00, v7;
	_ =	sdelay $0x2  }
0x4e: {  	v7 =	vmul.f32 $1.442695020e+00, v8  }
0x4f: {  	(erf) = vrcp.f32 v6;
	v6, _, _ =	vpop (xrf0)  }
0x50: {  	(erf) = vpow2.f32 v7;
	(v2sf) =	vpush v6, $0xF;
	_ =	sdelay $0x7  }
0x51: {  	v6 =	vpop (erf)  }
0x52: {  	v7 =	vpop (erf)  }
0x53: {  	v7 =	vadd.f32 $1.000000000e+00, v7;
	_ =	sdelay $0x1  }
0x54: {  	(erf) = vrcp.f32 v7;
	_ =	sdelay $0x2  }
0x55: {  	s19 =	spop (v2sf)  }
0x56: {  	p0 =	sgt.f32 s19, $0.0e+00  }
.Ltmp4:
0x57: {  	_ = 	snop;
	(pc) =	sbr.rel @!p0 .LBB2_6-.Ltmp4, $2  }
0x58: {  	_ =	sdelay $0x2  }
0x59: {  	v7 =	vpop (erf)  }
0x5a: {  	v9 =	vmov s0;
	_ =	sdelay $0x3  }
0x5b: {  	v14 =	vld [tilespmem:s17+$0x0];
	s21 =	simm.s32 $0x0  }
0x5c: {  	v16 =	vld.idx.msk [tilespmem:v9+s21+$0xFFFFFE80 ss:$0x1], $0xffff  }
0x5d: {  	v15 =	vld.idx.msk [tilespmem:v9+s21+$0xFFFFFF00 ss:$0x1], $0xffff  }
0x5e: {  	v13 =	vld.idx.msk [tilespmem:v9+s21+$0xFFFFFF80 ss:$0x1], $0xffff  }
0x5f: {  	v12 =	vld.idx.msk [tilespmem:v9+s21+$0x0 ss:$0x1], $0xffff  }
0x60: {  	v11 =	vld.idx.msk [tilespmem:v9+s21+$0x80 ss:$0x1], $0xffff  }
0x61: {  	v10 =	vld.idx.msk [tilespmem:v9+s21+$0x100 ss:$0x1], $0xffff  }
0x62: {  	s17 =	simm.s32 $0x380;
	s19 =	simm.s32 $0x1C00;
	v16 =	vmax.f32 v14, v16;
	v14 =	vld.idx.msk [tilespmem:v9+s21+$0x180 ss:$0x1], $0xffff  }
.LBB2_4:
0x63: {  	p0 =	sne.s32 s19, $0xB600;
	v17 =	vld.idx.msk [tilespmem:v9+s17+$0xFFFFFE80 ss:$0x1], $0xffff;
	v16 =	vmax.f32 v16, v15  }
0x64: {  	v15 =	vld.idx.msk [tilespmem:v9+s17+$0xFFFFFF00 ss:$0x1], $0xffff;
	v16 =	vmax.f32 v16, v13  }
.Ltmp5:
0x65: {  	v13 =	vld.idx.msk [tilespmem:v9+s17+$0xFFFFFF80 ss:$0x1], $0xffff;
	v16 =	vmax.f32 v16, v12;
	(pc) =	sbr.rel @p0 .LBB2_4-.Ltmp5, $4  }
0x66: {  	v12 =	vld.idx.msk [tilespmem:v9+s17+$0x0 ss:$0x1], $0xffff;
	v16 =	vmax.f32 v16, v11  }
0x67: {  	v11 =	vld.idx.msk [tilespmem:v9+s17+$0x80 ss:$0x1], $0xffff;
	v16 =	vmax.f32 v16, v10  }
0x68: {  	v10 =	vld.idx.msk [tilespmem:v9+s17+$0x100 ss:$0x1], $0xffff;
	v14 =	vmax.f32 v16, v14  }
0x69: {  	v16 =	vmax.f32 v14, v17;
	v14 =	vld.idx.msk [tilespmem:v9+s17+$0x180 ss:$0x1], $0xffff;
	s17 =	sshra.s32 s19, $0x2;
	s19 =	sadd.s32 $0xE00, s19  }
0x6a: {  	_ =	sdelay $0x2  }
0x6b: {  	v15 =	vmax.f32 v16, v15  }
0x6c: {  	v56 =	vld.idx.msk [tilespmem:v9+s17+$0xFFFFFE80 ss:$0x1], $0xffff;
	v13 =	vmax.f32 v15, v13  }
0x6d: {  	v57 =	vld.idx.msk [tilespmem:v9+s17+$0xFFFFFF00 ss:$0x1], $0xffff;
	v12 =	vmax.f32 v13, v12  }
0x6e: {  	v58 =	vld.idx.msk [tilespmem:v9+s17+$0xFFFFFF80 ss:$0x1], $0xffff;
	v11 =	vmax.f32 v12, v11  }
0x6f: {  	v59 =	vld.idx.msk [tilespmem:v9+s17+$0x0 ss:$0x1], $0xffff;
	v10 =	vmax.f32 v11, v10  }
0x70: {  	v60 =	vld.idx.msk [tilespmem:v9+s17+$0x80 ss:$0x1], $0xffff;
	v10 =	vmax.f32 v10, v14  }
0x71: {  	v61 =	vld.idx.msk [tilespmem:v9+s17+$0x100 ss:$0x1], $0xffff;
	v10 =	vmax.f32 v10, v56  }
0x72: {  	v62 =	vld.idx.msk [tilespmem:v9+s17+$0x180 ss:$0x1], $0xffff;
	v10 =	vmax.f32 v10, v57  }
0x73: {  	v10 =	vmax.f32 v10, v58  }
0x74: {  	v10 =	vmax.f32 v10, v59  }
0x75: {  	v10 =	vmax.f32 v10, v60  }
0x76: {  	v10 =	vmax.f32 v10, v61  }
0x77: {  	v9 =	vmax.f32 v10, v62  }
0x78: {  	v9 =	vsub.f32 $0.0e+00, v9;
	_ =	sdelay $0x1  }
0x79: {  	v9 =	vmul.f32 $1.442695020e+00, v9;
	_ =	sdelay $0x1  }
0x7a: {  	(erf) = vpow2.f32 v9;
	_ =	sdelay $0x8  }
0x7b: {  	v8 =	vsub.f32 $0.0e+00, v8;
	v9 =	vpop (erf)  }
0x7c: {  	v9 =	vadd.f32 $1.000000000e+00, v9  }
0x7d: {  	v8 =	vmul.f32 $1.442695020e+00, v8  }
0x7e: {  	(erf) = vrcp.f32 v9  }
0x7f: {  	(erf) = vpow2.f32 v8;
	_ =	sdelay $0x7  }
0x80: {  	v8 =	vpop (erf)  }
0x81: {  	v63 =	vpop (erf)  }
0x82: {  	v9 =	vadd.f32 $1.000000000e+00, v63;
	_ =	sdelay $0x1  }
0x83: {  	(erf) = vrcp.f32 v9;
	_ =	sdelay $0x8  }
.Ltmp6:
0x84: {  	v9 =	vpop (erf);
	(pc) =	sbr.rel .LBB2_6-.Ltmp6, $3  }
0x85: {  	v8 =	vadd.f32 v8, v9;
	_ =	sdelay $0x1  }
0x86: {  	v8 =	vnsel vm3, $0x0, v8  }
0x87: {  	v3 =	vadd.f32 v8, v3  }
.LBB2_7:
.Ltmp7:
0x88: {  	(pc) =	sbr.rel .LBB2_8-.Ltmp7, $4  }
0x89: {  	_ = 	snop  }
0x8a: {  	_ =	swait.ge [sflag:s26], $0x3200  }
0x8b: {  	[sflag:s26] =	ssyncset.done $0x0  }
0x8c: {  	s0 =	simm.s32 $0x0;
	s14 =	simm.s32 $0x3600;
	[sflag:s26] =	ssyncadd.s32 $0xFFFFCE00  }
.LBB2_12:
0x8d: {  	s0 =	sadd.s32 $0x1, s0  }
0x8e: {  	p0 =	sne.s32 s0, $0x8  }
.Ltmp8:
0x8f: {  	_ = 	snop;
	(pc) =	sbr.rel @!p0 .LBB2_13-.Ltmp8, $3  }
0x90: {  	v6 =	vadd.f32 v7, v6;
	_ =	sdelay $0x1  }
0x91: {  	v6 =	vsel vm3, $0x0, v6  }
0x92: {  	s14 =	sadd.s32 $0x10, s14;
	v2 =	vadd.f32 v5, v2;
	v4 =	vadd.f32 v6, v4  }
.LBB2_8:
0x93: {  	s17 =	sshll.u32 s0, $0x4  }
0x94: {  	v5 =	vld [tilespmem:s17+$0xD080];
	_ =	sdelay $0x4  }
0x95: {  	v6 =	vshll.u32 v5, $0x7  }
0x96: {  	v6 =	vadd.s32 s17, v6  }
0x97: {  	v6 =	vor.u32 v0, v6;
	_ =	sdelay $0x4  }
0x98: {  	v6 =	vld.idx.msk [tilespmem:v6+s18+$0x0], $0xffff;
	_ =	sdelay $0x4  }
0x99: {  	v6 =	vadd.f32 $0.0e+00, v6;
	_ =	sdelay $0x1  }
0x9a: {  	v6 =	vmul.f32 $1.442695020e+00, v6;
	_ =	sdelay $0x1  }
0x9b: {  	(erf) = vpow2.f32 v6;
	_ =	sdelay $0x4  }
0x9c: {  	v6 =	vld [tilespmem:s17+$0x6580]  }
0x9d: {  	vm3 =	veq.s32 v5, $0x63  }
0x9e: {  	v5 =	vsel vm3, $0x3F800000, v1  }
0x9f: {  	(xrf0) =	vmax.scan.msk.f32 $0xffff, v5  }
0xa0: {  	v7 =	vpop (erf)  }
0xa1: {  	v8 =	vsub.f32 $0.0e+00, v6;
	v6 =	vadd.f32 $1.000000000e+00, v7;
	_ =	sdelay $0x2  }
0xa2: {  	v7 =	vmul.f32 $1.442695020e+00, v8  }
0xa3: {  	(erf) = vrcp.f32 v6;
	v6, _, _ =	vpop (xrf0)  }
0xa4: {  	(erf) = vpow2.f32 v7;
	(v2sf) =	vpush v6, $0xF;
	_ =	sdelay $0x7  }
0xa5: {  	v6 =	vpop (erf)  }
0xa6: {  	v7 =	vpop (erf)  }
0xa7: {  	v7 =	vadd.f32 $1.000000000e+00, v7;
	_ =	sdelay $0x1  }
0xa8: {  	(erf) = vrcp.f32 v7;
	_ =	sdelay $0x2  }
0xa9: {  	s19 =	spop (v2sf)  }
0xaa: {  	p0 =	sgt.f32 s19, $0.0e+00  }
.Ltmp9:
0xab: {  	_ = 	snop;
	(pc) =	sbr.rel @!p0 .LBB2_12-.Ltmp9, $2  }
0xac: {  	_ =	sdelay $0x2  }
0xad: {  	v7 =	vpop (erf)  }
0xae: {  	v9 =	vmov s14;
	_ =	sdelay $0x3  }
0xaf: {  	v14 =	vld [tilespmem:s17+$0x3400];
	s21 =	simm.s32 $0x0  }
0xb0: {  	v16 =	vld.idx.msk [tilespmem:v9+s21+$0xFFFFFE80 ss:$0x1], $0xffff  }
0xb1: {  	v15 =	vld.idx.msk [tilespmem:v9+s21+$0xFFFFFF00 ss:$0x1], $0xffff  }
0xb2: {  	v13 =	vld.idx.msk [tilespmem:v9+s21+$0xFFFFFF80 ss:$0x1], $0xffff  }
0xb3: {  	v12 =	vld.idx.msk [tilespmem:v9+s21+$0x0 ss:$0x1], $0xffff  }
0xb4: {  	v11 =	vld.idx.msk [tilespmem:v9+s21+$0x80 ss:$0x1], $0xffff  }
0xb5: {  	v10 =	vld.idx.msk [tilespmem:v9+s21+$0x100 ss:$0x1], $0xffff  }
0xb6: {  	s17 =	simm.s32 $0x380;
	s19 =	simm.s32 $0x1C00;
	v16 =	vmax.f32 v14, v16;
	v14 =	vld.idx.msk [tilespmem:v9+s21+$0x180 ss:$0x1], $0xffff  }
.LBB2_10:
0xb7: {  	p0 =	sne.s32 s19, $0xB600;
	v17 =	vld.idx.msk [tilespmem:v9+s17+$0xFFFFFE80 ss:$0x1], $0xffff;
	v16 =	vmax.f32 v16, v15  }
0xb8: {  	v15 =	vld.idx.msk [tilespmem:v9+s17+$0xFFFFFF00 ss:$0x1], $0xffff;
	v16 =	vmax.f32 v16, v13  }
.Ltmp10:
0xb9: {  	v13 =	vld.idx.msk [tilespmem:v9+s17+$0xFFFFFF80 ss:$0x1], $0xffff;
	v16 =	vmax.f32 v16, v12;
	(pc) =	sbr.rel @p0 .LBB2_10-.Ltmp10, $4  }
0xba: {  	v12 =	vld.idx.msk [tilespmem:v9+s17+$0x0 ss:$0x1], $0xffff;
	v16 =	vmax.f32 v16, v11  }
0xbb: {  	v11 =	vld.idx.msk [tilespmem:v9+s17+$0x80 ss:$0x1], $0xffff;
	v16 =	vmax.f32 v16, v10  }
0xbc: {  	v10 =	vld.idx.msk [tilespmem:v9+s17+$0x100 ss:$0x1], $0xffff;
	v14 =	vmax.f32 v16, v14  }
0xbd: {  	v16 =	vmax.f32 v14, v17;
	v14 =	vld.idx.msk [tilespmem:v9+s17+$0x180 ss:$0x1], $0xffff;
	s17 =	sshra.s32 s19, $0x2;
	s19 =	sadd.s32 $0xE00, s19  }
0xbe: {  	_ =	sdelay $0x2  }
0xbf: {  	v15 =	vmax.f32 v16, v15  }
0xc0: {  	v56 =	vld.idx.msk [tilespmem:v9+s17+$0xFFFFFE80 ss:$0x1], $0xffff;
	v13 =	vmax.f32 v15, v13  }
0xc1: {  	v57 =	vld.idx.msk [tilespmem:v9+s17+$0xFFFFFF00 ss:$0x1], $0xffff;
	v12 =	vmax.f32 v13, v12  }
0xc2: {  	v58 =	vld.idx.msk [tilespmem:v9+s17+$0xFFFFFF80 ss:$0x1], $0xffff;
	v11 =	vmax.f32 v12, v11  }
0xc3: {  	v59 =	vld.idx.msk [tilespmem:v9+s17+$0x0 ss:$0x1], $0xffff;
	v10 =	vmax.f32 v11, v10  }
0xc4: {  	v60 =	vld.idx.msk [tilespmem:v9+s17+$0x80 ss:$0x1], $0xffff;
	v10 =	vmax.f32 v10, v14  }
0xc5: {  	v61 =	vld.idx.msk [tilespmem:v9+s17+$0x100 ss:$0x1], $0xffff;
	v10 =	vmax.f32 v10, v56  }
0xc6: {  	v62 =	vld.idx.msk [tilespmem:v9+s17+$0x180 ss:$0x1], $0xffff;
	v10 =	vmax.f32 v10, v57  }
0xc7: {  	v10 =	vmax.f32 v10, v58  }
0xc8: {  	v10 =	vmax.f32 v10, v59  }
0xc9: {  	v10 =	vmax.f32 v10, v60  }
0xca: {  	v10 =	vmax.f32 v10, v61  }
0xcb: {  	v9 =	vmax.f32 v10, v62  }
0xcc: {  	v9 =	vsub.f32 $0.0e+00, v9;
	_ =	sdelay $0x1  }
0xcd: {  	v9 =	vmul.f32 $1.442695020e+00, v9;
	_ =	sdelay $0x1  }
0xce: {  	(erf) = vpow2.f32 v9;
	_ =	sdelay $0x8  }
0xcf: {  	v8 =	vsub.f32 $0.0e+00, v8;
	v9 =	vpop (erf)  }
0xd0: {  	v9 =	vadd.f32 $1.000000000e+00, v9  }
0xd1: {  	v8 =	vmul.f32 $1.442695020e+00, v8  }
0xd2: {  	(erf) = vrcp.f32 v9  }
0xd3: {  	(erf) = vpow2.f32 v8;
	_ =	sdelay $0x7  }
0xd4: {  	v8 =	vpop (erf)  }
0xd5: {  	v63 =	vpop (erf)  }
0xd6: {  	v9 =	vadd.f32 $1.000000000e+00, v63;
	_ =	sdelay $0x1  }
0xd7: {  	(erf) = vrcp.f32 v9;
	_ =	sdelay $0x8  }
.Ltmp11:
0xd8: {  	v9 =	vpop (erf);
	(pc) =	sbr.rel .LBB2_12-.Ltmp11, $3  }
0xd9: {  	v8 =	vadd.f32 v8, v9;
	_ =	sdelay $0x1  }
0xda: {  	v8 =	vnsel vm3, $0x0, v8  }
0xdb: {  	v3 =	vadd.f32 v8, v3  }
.LBB2_13:
.Ltmp12:
0xdc: {  	(pc) =	sbr.rel .LBB2_14-.Ltmp12, $4  }
0xdd: {  	_ = 	snop  }
0xde: {  	_ =	swait.ge [sflag:s28], $0x3200  }
0xdf: {  	[sflag:s28] =	ssyncset.done $0x0  }
0xe0: {  	s0 =	simm.s32 $0x0;
	s14 =	simm.s32 $0x6A00;
	[sflag:s28] =	ssyncadd.s32 $0xFFFFCE00  }
.LBB2_18:
0xe1: {  	s0 =	sadd.s32 $0x1, s0  }
0xe2: {  	p0 =	sne.s32 s0, $0x8  }
.Ltmp13:
0xe3: {  	_ = 	snop;
	(pc) =	sbr.rel @!p0 .LBB2_19-.Ltmp13, $3  }
0xe4: {  	v6 =	vadd.f32 v7, v6;
	_ =	sdelay $0x1  }
0xe5: {  	v6 =	vsel vm3, $0x0, v6  }
0xe6: {  	s14 =	sadd.s32 $0x10, s14;
	v2 =	vadd.f32 v5, v2;
	v4 =	vadd.f32 v6, v4  }
.LBB2_14:
0xe7: {  	s17 =	sshll.u32 s0, $0x4  }
0xe8: {  	v5 =	vld [tilespmem:s17+$0xD100];
	_ =	sdelay $0x4  }
0xe9: {  	v6 =	vshll.u32 v5, $0x7  }
0xea: {  	v6 =	vadd.s32 s17, v6  }
0xeb: {  	v6 =	vor.u32 v0, v6;
	_ =	sdelay $0x4  }
0xec: {  	v6 =	vld.idx.msk [tilespmem:v6+s20+$0x0], $0xffff;
	_ =	sdelay $0x4  }
0xed: {  	v6 =	vadd.f32 $0.0e+00, v6;
	_ =	sdelay $0x1  }
0xee: {  	v6 =	vmul.f32 $1.442695020e+00, v6;
	_ =	sdelay $0x1  }
0xef: {  	(erf) = vpow2.f32 v6;
	_ =	sdelay $0x4  }
0xf0: {  	v6 =	vld [tilespmem:s17+$0x9980]  }
0xf1: {  	vm3 =	veq.s32 v5, $0x63  }
0xf2: {  	v5 =	vsel vm3, $0x3F800000, v1  }
0xf3: {  	(xrf0) =	vmax.scan.msk.f32 $0xffff, v5  }
0xf4: {  	v7 =	vpop (erf)  }
0xf5: {  	v8 =	vsub.f32 $0.0e+00, v6;
	v6 =	vadd.f32 $1.000000000e+00, v7;
	_ =	sdelay $0x2  }
0xf6: {  	v7 =	vmul.f32 $1.442695020e+00, v8  }
0xf7: {  	(erf) = vrcp.f32 v6;
	v6, _, _ =	vpop (xrf0)  }
0xf8: {  	(erf) = vpow2.f32 v7;
	(v2sf) =	vpush v6, $0xF;
	_ =	sdelay $0x7  }
0xf9: {  	v6 =	vpop (erf)  }
0xfa: {  	v7 =	vpop (erf)  }
0xfb: {  	v7 =	vadd.f32 $1.000000000e+00, v7;
	_ =	sdelay $0x1  }
0xfc: {  	(erf) = vrcp.f32 v7;
	_ =	sdelay $0x2  }
0xfd: {  	s19 =	spop (v2sf)  }
0xfe: {  	p0 =	sgt.f32 s19, $0.0e+00  }
.Ltmp14:
0xff: {  	_ = 	snop;
	(pc) =	sbr.rel @!p0 .LBB2_18-.Ltmp14, $2  }
0x100: {  	_ =	sdelay $0x2  }
0x101: {  	v7 =	vpop (erf)  }
0x102: {  	v9 =	vmov s14;
	_ =	sdelay $0x3  }
0x103: {  	v14 =	vld [tilespmem:s17+$0x6800];
	s21 =	simm.s32 $0x0  }
0x104: {  	v16 =	vld.idx.msk [tilespmem:v9+s21+$0xFFFFFE80 ss:$0x1], $0xffff  }
0x105: {  	v15 =	vld.idx.msk [tilespmem:v9+s21+$0xFFFFFF00 ss:$0x1], $0xffff  }
0x106: {  	v13 =	vld.idx.msk [tilespmem:v9+s21+$0xFFFFFF80 ss:$0x1], $0xffff  }
0x107: {  	v12 =	vld.idx.msk [tilespmem:v9+s21+$0x0 ss:$0x1], $0xffff  }
0x108: {  	v11 =	vld.idx.msk [tilespmem:v9+s21+$0x80 ss:$0x1], $0xffff  }
0x109: {  	v10 =	vld.idx.msk [tilespmem:v9+s21+$0x100 ss:$0x1], $0xffff  }
0x10a: {  	s17 =	simm.s32 $0x380;
	s19 =	simm.s32 $0x1C00;
	v16 =	vmax.f32 v14, v16;
	v14 =	vld.idx.msk [tilespmem:v9+s21+$0x180 ss:$0x1], $0xffff  }
.LBB2_16:
0x10b: {  	p0 =	sne.s32 s19, $0xB600;
	v17 =	vld.idx.msk [tilespmem:v9+s17+$0xFFFFFE80 ss:$0x1], $0xffff;
	v16 =	vmax.f32 v16, v15  }
0x10c: {  	v15 =	vld.idx.msk [tilespmem:v9+s17+$0xFFFFFF00 ss:$0x1], $0xffff;
	v16 =	vmax.f32 v16, v13  }
.Ltmp15:
0x10d: {  	v13 =	vld.idx.msk [tilespmem:v9+s17+$0xFFFFFF80 ss:$0x1], $0xffff;
	v16 =	vmax.f32 v16, v12;
	(pc) =	sbr.rel @p0 .LBB2_16-.Ltmp15, $4  }
0x10e: {  	v12 =	vld.idx.msk [tilespmem:v9+s17+$0x0 ss:$0x1], $0xffff;
	v16 =	vmax.f32 v16, v11  }
0x10f: {  	v11 =	vld.idx.msk [tilespmem:v9+s17+$0x80 ss:$0x1], $0xffff;
	v16 =	vmax.f32 v16, v10  }
0x110: {  	v10 =	vld.idx.msk [tilespmem:v9+s17+$0x100 ss:$0x1], $0xffff;
	v14 =	vmax.f32 v16, v14  }
0x111: {  	v16 =	vmax.f32 v14, v17;
	v14 =	vld.idx.msk [tilespmem:v9+s17+$0x180 ss:$0x1], $0xffff;
	s17 =	sshra.s32 s19, $0x2;
	s19 =	sadd.s32 $0xE00, s19  }
0x112: {  	_ =	sdelay $0x2  }
0x113: {  	v15 =	vmax.f32 v16, v15  }
0x114: {  	v56 =	vld.idx.msk [tilespmem:v9+s17+$0xFFFFFE80 ss:$0x1], $0xffff;
	v13 =	vmax.f32 v15, v13  }
0x115: {  	v57 =	vld.idx.msk [tilespmem:v9+s17+$0xFFFFFF00 ss:$0x1], $0xffff;
	v12 =	vmax.f32 v13, v12  }
0x116: {  	v58 =	vld.idx.msk [tilespmem:v9+s17+$0xFFFFFF80 ss:$0x1], $0xffff;
	v11 =	vmax.f32 v12, v11  }
0x117: {  	v59 =	vld.idx.msk [tilespmem:v9+s17+$0x0 ss:$0x1], $0xffff;
	v10 =	vmax.f32 v11, v10  }
0x118: {  	v60 =	vld.idx.msk [tilespmem:v9+s17+$0x80 ss:$0x1], $0xffff;
	v10 =	vmax.f32 v10, v14  }
0x119: {  	v61 =	vld.idx.msk [tilespmem:v9+s17+$0x100 ss:$0x1], $0xffff;
	v10 =	vmax.f32 v10, v56  }
0x11a: {  	v62 =	vld.idx.msk [tilespmem:v9+s17+$0x180 ss:$0x1], $0xffff;
	v10 =	vmax.f32 v10, v57  }
0x11b: {  	v10 =	vmax.f32 v10, v58  }
0x11c: {  	v10 =	vmax.f32 v10, v59  }
0x11d: {  	v10 =	vmax.f32 v10, v60  }
0x11e: {  	v10 =	vmax.f32 v10, v61  }
0x11f: {  	v9 =	vmax.f32 v10, v62  }
0x120: {  	v9 =	vsub.f32 $0.0e+00, v9;
	_ =	sdelay $0x1  }
0x121: {  	v9 =	vmul.f32 $1.442695020e+00, v9;
	_ =	sdelay $0x1  }
0x122: {  	(erf) = vpow2.f32 v9;
	_ =	sdelay $0x8  }
0x123: {  	v8 =	vsub.f32 $0.0e+00, v8;
	v9 =	vpop (erf)  }
0x124: {  	v9 =	vadd.f32 $1.000000000e+00, v9  }
0x125: {  	v8 =	vmul.f32 $1.442695020e+00, v8  }
0x126: {  	(erf) = vrcp.f32 v9  }
0x127: {  	(erf) = vpow2.f32 v8;
	_ =	sdelay $0x7  }
0x128: {  	v8 =	vpop (erf)  }
0x129: {  	v63 =	vpop (erf)  }
0x12a: {  	v9 =	vadd.f32 $1.000000000e+00, v63;
	_ =	sdelay $0x1  }
0x12b: {  	(erf) = vrcp.f32 v9;
	_ =	sdelay $0x8  }
.Ltmp16:
0x12c: {  	v9 =	vpop (erf);
	(pc) =	sbr.rel .LBB2_18-.Ltmp16, $3  }
0x12d: {  	v8 =	vadd.f32 v8, v9;
	_ =	sdelay $0x1  }
0x12e: {  	v8 =	vnsel vm3, $0x0, v8  }
0x12f: {  	v3 =	vadd.f32 v8, v3  }
.LBB2_19:
.Ltmp17:
0x130: {  	(pc) =	sbr.rel .LBB2_20-.Ltmp17, $4  }
0x131: {  	_ = 	snop  }
0x132: {  	_ =	swait.ge [sflag:s29], $0x3200  }
0x133: {  	[sflag:s29] =	ssyncset.done $0x0  }
0x134: {  	s0 =	simm.s32 $0x0;
	s14 =	simm.s32 $0x9E00;
	[sflag:s29] =	ssyncadd.s32 $0xFFFFCE00  }
.LBB2_24:
0x135: {  	s0 =	sadd.s32 $0x1, s0  }
0x136: {  	p0 =	sne.s32 s0, $0x8  }
.Ltmp18:
0x137: {  	v6 =	vadd.f32 v7, v6;
	(pc) =	sbr.rel @!p0 .LBB2_25-.Ltmp18, $4  }
0x138: {  	_ = 	snop  }
0x139: {  	v6 =	vsel vm3, $0x0, v6  }
0x13a: {  	v4 =	vadd.f32 v6, v4  }
0x13b: {  	s14 =	sadd.s32 $0x10, s14;
	v2 =	vadd.f32 v5, v2  }
.LBB2_20:
0x13c: {  	s17 =	sshll.u32 s0, $0x4  }
0x13d: {  	v5 =	vld [tilespmem:s17+$0xD180];
	_ =	sdelay $0x4  }
0x13e: {  	v6 =	vshll.u32 v5, $0x7  }
0x13f: {  	v6 =	vadd.s32 s17, v6  }
0x140: {  	v6 =	vor.u32 v0, v6;
	_ =	sdelay $0x4  }
0x141: {  	v6 =	vld.idx.msk [tilespmem:v6+s22+$0x0], $0xffff;
	_ =	sdelay $0x4  }
0x142: {  	v6 =	vadd.f32 $0.0e+00, v6;
	_ =	sdelay $0x1  }
0x143: {  	v6 =	vmul.f32 $1.442695020e+00, v6;
	_ =	sdelay $0x1  }
0x144: {  	(erf) = vpow2.f32 v6;
	_ =	sdelay $0x4  }
0x145: {  	v6 =	vld [tilespmem:s17+$0xCD80]  }
0x146: {  	vm3 =	veq.s32 v5, $0x63  }
0x147: {  	v5 =	vsel vm3, $0x3F800000, v1  }
0x148: {  	(xrf0) =	vmax.scan.msk.f32 $0xffff, v5  }
0x149: {  	v7 =	vpop (erf)  }
0x14a: {  	v8 =	vsub.f32 $0.0e+00, v6;
	v6 =	vadd.f32 $1.000000000e+00, v7;
	_ =	sdelay $0x2  }
0x14b: {  	v7 =	vmul.f32 $1.442695020e+00, v8  }
0x14c: {  	(erf) = vrcp.f32 v6;
	v6, _, _ =	vpop (xrf0)  }
0x14d: {  	(erf) = vpow2.f32 v7;
	(v2sf) =	vpush v6, $0xF;
	_ =	sdelay $0x7  }
0x14e: {  	v6 =	vpop (erf)  }
0x14f: {  	v7 =	vpop (erf)  }
0x150: {  	v7 =	vadd.f32 $1.000000000e+00, v7;
	_ =	sdelay $0x1  }
0x151: {  	(erf) = vrcp.f32 v7;
	_ =	sdelay $0x2  }
0x152: {  	s19 =	spop (v2sf)  }
0x153: {  	p0 =	sgt.f32 s19, $0.0e+00  }
.Ltmp19:
0x154: {  	_ = 	snop;
	(pc) =	sbr.rel @!p0 .LBB2_24-.Ltmp19, $2  }
0x155: {  	_ =	sdelay $0x2  }
0x156: {  	v7 =	vpop (erf)  }
0x157: {  	v9 =	vmov s14;
	_ =	sdelay $0x3  }
0x158: {  	v14 =	vld [tilespmem:s17+$0x9C00];
	s21 =	simm.s32 $0x0  }
0x159: {  	v16 =	vld.idx.msk [tilespmem:v9+s21+$0xFFFFFE80 ss:$0x1], $0xffff  }
0x15a: {  	v15 =	vld.idx.msk [tilespmem:v9+s21+$0xFFFFFF00 ss:$0x1], $0xffff  }
0x15b: {  	v13 =	vld.idx.msk [tilespmem:v9+s21+$0xFFFFFF80 ss:$0x1], $0xffff  }
0x15c: {  	v12 =	vld.idx.msk [tilespmem:v9+s21+$0x0 ss:$0x1], $0xffff  }
0x15d: {  	v11 =	vld.idx.msk [tilespmem:v9+s21+$0x80 ss:$0x1], $0xffff  }
0x15e: {  	v10 =	vld.idx.msk [tilespmem:v9+s21+$0x100 ss:$0x1], $0xffff  }
0x15f: {  	s17 =	simm.s32 $0x380;
	s19 =	simm.s32 $0x1C00;
	v16 =	vmax.f32 v14, v16;
	v14 =	vld.idx.msk [tilespmem:v9+s21+$0x180 ss:$0x1], $0xffff  }
.LBB2_22:
0x160: {  	p0 =	sne.s32 s19, $0xB600;
	v17 =	vld.idx.msk [tilespmem:v9+s17+$0xFFFFFE80 ss:$0x1], $0xffff;
	v16 =	vmax.f32 v16, v15  }
0x161: {  	v15 =	vld.idx.msk [tilespmem:v9+s17+$0xFFFFFF00 ss:$0x1], $0xffff;
	v16 =	vmax.f32 v16, v13  }
.Ltmp20:
0x162: {  	v13 =	vld.idx.msk [tilespmem:v9+s17+$0xFFFFFF80 ss:$0x1], $0xffff;
	v16 =	vmax.f32 v16, v12;
	(pc) =	sbr.rel @p0 .LBB2_22-.Ltmp20, $4  }
0x163: {  	v12 =	vld.idx.msk [tilespmem:v9+s17+$0x0 ss:$0x1], $0xffff;
	v16 =	vmax.f32 v16, v11  }
0x164: {  	v11 =	vld.idx.msk [tilespmem:v9+s17+$0x80 ss:$0x1], $0xffff;
	v16 =	vmax.f32 v16, v10  }
0x165: {  	v10 =	vld.idx.msk [tilespmem:v9+s17+$0x100 ss:$0x1], $0xffff;
	v14 =	vmax.f32 v16, v14  }
0x166: {  	v16 =	vmax.f32 v14, v17;
	v14 =	vld.idx.msk [tilespmem:v9+s17+$0x180 ss:$0x1], $0xffff;
	s17 =	sshra.s32 s19, $0x2;
	s19 =	sadd.s32 $0xE00, s19  }
0x167: {  	_ =	sdelay $0x2  }
0x168: {  	v15 =	vmax.f32 v16, v15  }
0x169: {  	v56 =	vld.idx.msk [tilespmem:v9+s17+$0xFFFFFE80 ss:$0x1], $0xffff;
	v13 =	vmax.f32 v15, v13  }
0x16a: {  	v57 =	vld.idx.msk [tilespmem:v9+s17+$0xFFFFFF00 ss:$0x1], $0xffff;
	v12 =	vmax.f32 v13, v12  }
0x16b: {  	v58 =	vld.idx.msk [tilespmem:v9+s17+$0xFFFFFF80 ss:$0x1], $0xffff;
	v11 =	vmax.f32 v12, v11  }
0x16c: {  	v59 =	vld.idx.msk [tilespmem:v9+s17+$0x0 ss:$0x1], $0xffff;
	v10 =	vmax.f32 v11, v10  }
0x16d: {  	v60 =	vld.idx.msk [tilespmem:v9+s17+$0x80 ss:$0x1], $0xffff;
	v10 =	vmax.f32 v10, v14  }
0x16e: {  	v61 =	vld.idx.msk [tilespmem:v9+s17+$0x100 ss:$0x1], $0xffff;
	v10 =	vmax.f32 v10, v56  }
0x16f: {  	v62 =	vld.idx.msk [tilespmem:v9+s17+$0x180 ss:$0x1], $0xffff;
	v10 =	vmax.f32 v10, v57  }
0x170: {  	v10 =	vmax.f32 v10, v58  }
0x171: {  	v10 =	vmax.f32 v10, v59  }
0x172: {  	v10 =	vmax.f32 v10, v60  }
0x173: {  	v10 =	vmax.f32 v10, v61  }
0x174: {  	v9 =	vmax.f32 v10, v62  }
0x175: {  	v9 =	vsub.f32 $0.0e+00, v9;
	_ =	sdelay $0x1  }
0x176: {  	v9 =	vmul.f32 $1.442695020e+00, v9;
	_ =	sdelay $0x1  }
0x177: {  	(erf) = vpow2.f32 v9;
	_ =	sdelay $0x8  }
0x178: {  	v8 =	vsub.f32 $0.0e+00, v8;
	v9 =	vpop (erf)  }
0x179: {  	v9 =	vadd.f32 $1.000000000e+00, v9  }
0x17a: {  	v8 =	vmul.f32 $1.442695020e+00, v8  }
0x17b: {  	(erf) = vrcp.f32 v9  }
0x17c: {  	(erf) = vpow2.f32 v8;
	_ =	sdelay $0x7  }
0x17d: {  	v8 =	vpop (erf)  }
0x17e: {  	v63 =	vpop (erf)  }
0x17f: {  	v9 =	vadd.f32 $1.000000000e+00, v63;
	_ =	sdelay $0x1  }
0x180: {  	(erf) = vrcp.f32 v9;
	_ =	sdelay $0x8  }
.Ltmp21:
0x181: {  	v9 =	vpop (erf);
	(pc) =	sbr.rel .LBB2_24-.Ltmp21, $3  }
0x182: {  	v8 =	vadd.f32 v8, v9;
	_ =	sdelay $0x1  }
0x183: {  	v8 =	vnsel vm3, $0x0, v8  }
0x184: {  	v3 =	vadd.f32 v8, v3  }
.LBB2_26:
0x185: {  	_ =	sfence.sel $0x180000  }
0x186: {  	[bflag:$0x0] =	sbarrier.arrive $0xFFFF  }
0x187: {  	_ =	strace $0x90000047  }
0x188: {  	s0 =	stileid.u32;
	[bflag:$0x2] =	sbarrier.arrive $0xFFFF  }
0x189: {  	p0 =	sne.s32 s0, $0x0;
	s0 =	rddreg [dreg:$0x3]  }
0x18a: {  	s0 =	sadd.s32 @!p0 $0x100000, s0  }
0x18b: {  	[sflag:s0] =	ssyncadd.tile.s32 @!p0 $0x1;
	_ =	shalt  }
.Lfunc_end2:
_tile_overlayer_lowered:
.L_overlay_start_2:
0x18c: {  	(tag) =	ssettag $0x2  }
0x18d: {  	s0 =	rddreg [dreg:$0x0];
	s2 =	stileid.u32  }
0x18e: {  	s1 =	rddreg [dreg:$0x1];
	p0 =	sne.s32 s2, $0x0  }
0x18f: {  	s3 =	rddreg [dreg:$0x2];
	[bflag:$0x3] =	sbarrier.arrive $0xFFFF;
	s2 =	simm.s32 @!p0 $0x1C06  }
0x190: {  	[timem:s3], [sflag:s2] =	dma.local @!p0 [hbm:s0], s1  }
0x191: {  	s0 =	simm.s32 @!p0 $0x6  }
0x192: {  	_ =	swait.ge @!p0 [sflag:s0], s1  }
0x193: {  	s1 =	ssub.s32 @!p0 $0x0, s1;
	[sflag:s0] =	ssyncset.done @!p0 $0x0  }
0x194: {  	[sflag:s0] =	ssyncadd.s32 @!p0 s1  }
0x195: {  	[bflag:$0x3] =	sbarrier.arrive $0xFFFF  }
0x196: {  	_ =	shalt  }

</sc_bundles>
